<compile_context>
chip_gen: v7x
topology: tpu7x:2x2x1
jax: 0.10.2.dev20260603
libtpu: 0.0.44.dev20260713+nightly
codegen_flags: <defaults>
</compile_context>

<pallas_src>
import functools

import jax
import jax.numpy as jnp
from jax import lax
from jax.experimental import pallas as pl
from jax.experimental.pallas import tpu as pltpu
from jax.experimental.pallas import tpu_sc as plsc

_FREQ_W = 0.3
_IMP_W = 0.4
_TIME_W = 0.3
_NW = 32
_L = 16


def _mean_body(x_ref, o_ref):
    x = x_ref[0]
    o_ref[0, 0] = jnp.sum(x, axis=-1) * jnp.float32(1.0 / 128.0)


def _row_means(importance):
    b, h = importance.shape
    g = 4
    rows = b // g
    x3 = importance.reshape(g, rows, h)
    out = pl.pallas_call(
        _mean_body,
        grid=(g,),
        in_specs=[pl.BlockSpec((1, rows, h), lambda i: (i, 0, 0))],
        out_specs=pl.BlockSpec((1, 1, rows), lambda i: (i, 0, 0)),
        out_shape=jax.ShapeDtypeStruct((g, 1, rows), jnp.float32),
    )(x3)
    return out.reshape(b)


def _make_scatter_kernel(c, cp, b):
    r = cp // _NW
    groups = b // _L
    last = _NW - 1
    r_last = c - last * r
    mesh = plsc.VectorSubcoreMesh(core_axis_name="c", subcore_axis_name="s")

    @functools.partial(
        pl.kernel,
        mesh=mesh,
        compiler_params=pltpu.CompilerParams(needs_layout_passes=False),
        out_type=[jax.ShapeDtypeStruct((cp,), jnp.float32)] * 3,
        scratch_types=[
            pltpu.VMEM((b,), jnp.int32),
            pltpu.VMEM((b,), jnp.float32),
            pltpu.VMEM((_L,), jnp.float32),
            pltpu.VMEM((r,), jnp.float32),
            pltpu.VMEM((r,), jnp.float32),
            pltpu.VMEM((r,), jnp.float32),
            pltpu.VMEM((r,), jnp.float32),
            pltpu.VMEM((r,), jnp.float32),
            pltpu.SemaphoreType.DMA,
            pltpu.SemaphoreType.DMA,
            pltpu.SemaphoreType.DMA,
        ],
    )
    def scatter_kernel(idx_hbm, mean_hbm, gt_hbm, t_hbm, f_hbm, i_hbm,
                       t_out, f_out, i_out,
                       idx_v, mean_v, gt_v, t_v, f_v, delta_v, win_v, i_v,
                       in_sem, rng_sem, out_sem):
        wid = lax.axis_index("s") * 2 + lax.axis_index("c")
        lo = wid * r
        off = jnp.minimum(lo, c - r)
        copies_a = [
            pltpu.async_copy(idx_hbm, idx_v, in_sem),
            pltpu.async_copy(mean_hbm, mean_v, in_sem),
            pltpu.async_copy(gt_hbm, gt_v, in_sem),
        ]
        copies_b = [
            pltpu.async_copy(t_hbm.at[pl.ds(off, r)], t_v, rng_sem),
            pltpu.async_copy(f_hbm.at[pl.ds(off, r)], f_v, rng_sem),
            pltpu.async_copy(i_hbm.at[pl.ds(off, r)], i_v, rng_sem),
        ]
        zero16 = jnp.zeros((_L,), jnp.float32)
        one16 = jnp.ones((_L,), jnp.float32)

        def zbody(j, carry):
            delta_v[pl.ds(j * _L, _L)] = zero16
            return carry

        lax.fori_loop(0, r // _L, zbody, 0, unroll=8)
        for cp_ in copies_a:
            cp_.wait()

        def body(g, carry):
            ii = idx_v[pl.ds(g * _L, _L)]
            m = (ii >= lo) & (ii < lo + r)
            locs = jnp.where(m, ii - off, 0)
            plsc.store_scatter(delta_v, [locs], one16, mask=m)
            mu = mean_v[pl.ds(g * _L, _L)]
            plsc.store_scatter(win_v, [locs], mu, mask=m)
            return carry

        lax.fori_loop(0, groups, body, 0, unroll=8)
        for cp_ in copies_b:
            cp_.wait()
        gt16 = gt_v[...]

        def abody(j, carry):
            sl = pl.ds(j * _L, _L)
            d = delta_v[sl]
            hit = d > 0.0
            t_v[sl] = jnp.where(hit, gt16, t_v[sl])
            f_v[sl] = f_v[sl] + d
            i_v[sl] = jnp.where(hit, win_v[sl], i_v[sl])
            return carry

        lax.fori_loop(0, r // _L, abody, 0, unroll=4)

        @pl.when(wid < last)
        def _():
            o1 = pltpu.async_copy(t_v, t_out.at[pl.ds(lo, r)], out_sem)
            o2 = pltpu.async_copy(f_v, f_out.at[pl.ds(lo, r)], out_sem)
            o3 = pltpu.async_copy(i_v, i_out.at[pl.ds(lo, r)], out_sem)
            o1.wait()
            o2.wait()
            o3.wait()

        @pl.when(wid == last)
        def _():
            ll = last * r
            sk = r - r_last
            o1 = pltpu.async_copy(
                t_v.at[pl.ds(sk, r_last)], t_out.at[pl.ds(ll, r_last)],
                out_sem)
            o2 = pltpu.async_copy(
                f_v.at[pl.ds(sk, r_last)], f_out.at[pl.ds(ll, r_last)],
                out_sem)
            o3 = pltpu.async_copy(
                i_v.at[pl.ds(sk, r_last)], i_out.at[pl.ds(ll, r_last)],
                out_sem)
            o1.wait()
            o2.wait()
            o3.wait()

    return scatter_kernel


def _make_select_body(c, k, rows, mrows):
    def body(denom_ref, t_ref, f_ref, i_ref, p_ref, m_ref):
        t = t_ref[...]
        f = f_ref[...]
        im = i_ref[...]
        row = lax.broadcasted_iota(jnp.int32, (rows, 128), 0)
        col = lax.broadcasted_iota(jnp.int32, (rows, 128), 1)
        flat = row * 128 + col
        valid = flat < c

        zero = jnp.float32(0.0)
        fmax = jnp.max(jnp.where(valid, f, zero))
        imax = jnp.max(jnp.where(valid, im, zero))
        ts = t / denom_ref[0, 0]
        fs = f / (fmax + jnp.float32(1e-8))
        isc = im / (imax + jnp.float32(1e-8))
        p = jnp.float32(_TIME_W) * ts + jnp.float32(_FREQ_W) * fs \
            + jnp.float32(_IMP_W) * isc
        p = jnp.where(valid, p, jnp.float32(jnp.inf))
        p_ref[...] = p
        pbits = lax.bitcast_convert_type(p, jnp.int32)

        def cnt_le(bound):
            return jnp.sum((pbits <= bound).astype(jnp.int32))

        maxfinite = jnp.int32(0x7F7FFFFF)

        def bs_body(_, state):
            lo_, hi_, clo_, chi_ = state
            mid = (lo_ + hi_) >> 1
            cm = cnt_le(mid)
            take = cm >= k
            return (jnp.where(take, lo_, mid), jnp.where(take, mid, hi_),
                    jnp.where(take, clo_, cm), jnp.where(take, cm, chi_))

        top = jnp.int32(0x3F800000)
        _, thr, c1, ctot = lax.fori_loop(
            0, 30, bs_body,
            (jnp.int32(-1), top, jnp.int32(0), jnp.int32(c)))
        need = k - c1
        eq = (pbits == thr) & valid

        def cnt2(bound):
            return jnp.sum((eq & (flat <= bound)).astype(jnp.int32))

        def bs2_body(_, state):
            lo_, hi_ = state
            mid = (lo_ + hi_) >> 1
            take = cnt2(mid) >= need
            return jnp.where(take, lo_, mid), jnp.where(take, mid, hi_)

        def tie_break():
            _, j = lax.fori_loop(0, 18, bs2_body,
                                 (jnp.int32(-1), jnp.int32(rows * 128)))
            return j

        jthr = lax.cond(ctot - c1 == need,
                        lambda: jnp.int32(rows * 128), tie_break)
        sel = (pbits < thr) | (eq & (flat <= jthr))
        m_ref[0:rows] = sel.astype(jnp.int32)
        m_ref[rows:mrows] = jnp.zeros((mrows - rows, 128), jnp.int32)

    return body


def kernel(keys, values, indices, importance, access_times, access_frequency,
           importance_scores, global_time):
    cache_len = keys.shape[0]
    c = access_times.shape[0]
    if cache_len <= c:
        return jnp.zeros((cache_len,), dtype=jnp.bool_)
    b = indices.shape[0]
    k = cache_len - c
    del keys, values

    means = importance if importance.ndim == 1 else _row_means(importance)

    cp = ((c + 1023) // 1024) * 1024
    gt_f = jnp.asarray(global_time).astype(jnp.float32)
    gt_vec = jnp.broadcast_to(gt_f, (_L,))
    idx_i32 = indices.astype(jnp.int32)

    scatter = _make_scatter_kernel(c, cp, b)
    t_new, f_new, i_new = scatter(idx_i32, means, gt_vec, access_times,
                                  access_frequency, importance_scores)

    rows = cp // 128
    mrows = cache_len // 128
    denom_t = (jnp.asarray(global_time) + 1).astype(jnp.float32) \
        + jnp.float32(1e-8)
    denom_t = denom_t.reshape(1, 1)
    p_grid, m_grid = pl.pallas_call(
        _make_select_body(c, k, rows, mrows),
        in_specs=[
            pl.BlockSpec(memory_space=pltpu.SMEM),
            pl.BlockSpec((rows, 128), lambda: (0, 0)),
            pl.BlockSpec((rows, 128), lambda: (0, 0)),
            pl.BlockSpec((rows, 128), lambda: (0, 0)),
        ],
        out_specs=[
            pl.BlockSpec((rows, 128), lambda: (0, 0)),
            pl.BlockSpec((mrows, 128), lambda: (0, 0)),
        ],
        out_shape=[
            jax.ShapeDtypeStruct((rows, 128), jnp.float32),
            jax.ShapeDtypeStruct((mrows, 128), jnp.int32),
        ],
    )(denom_t, t_new.reshape(rows, 128), f_new.reshape(rows, 128),
      i_new.reshape(rows, 128))

    priority = p_grid.reshape(cp)[:c]
    evict_mask = m_grid.reshape(cache_len).astype(jnp.bool_)
    return (evict_mask, priority, t_new[:c], f_new[:c], i_new[:c])

# --- scband reference (transcript-rebuilt; emitter-appended) ---
"""Pipeline reference for scband-lruplus-scheduler-22170621182534 (READ-ONLY COPY).

The authoritative reference and input builder live on the scoring server;
editing this copy changes nothing except your own understanding.
"""

import jax, jax.numpy as jnp
import numpy as np

CACHE_SIZE = 100000
HIDDEN = 128
CACHE_LEN = 131072
BATCH = 16384
# normalized weights: 0.3+0.4+0.3 = 1.0
FREQ_W = 0.3
IMP_W = 0.4
TIME_W = 0.3


def setup_inputs(seed: int = 0) -> dict:
    key = jax.random.key(seed)
    ks = jax.random.split(key, 8)
    keys = jax.random.normal(ks[0], (CACHE_LEN, HIDDEN), dtype=jnp.float32)
    values = jax.random.normal(ks[1], (CACHE_LEN, HIDDEN), dtype=jnp.float32)
    indices = jax.random.randint(ks[2], (BATCH,), 0, CACHE_SIZE, dtype=jnp.int64 if jax.config.jax_enable_x64 else jnp.int32)
    importance = jax.random.uniform(ks[3], (BATCH, HIDDEN), dtype=jnp.float32)
    access_times = jax.random.uniform(ks[4], (CACHE_SIZE,), dtype=jnp.float32) * 999.0
    access_frequency = jnp.floor(jax.random.uniform(ks[5], (CACHE_SIZE,), dtype=jnp.float32) * 50.0)
    importance_scores = jax.random.uniform(ks[6], (CACHE_SIZE,), dtype=jnp.float32)
    global_time = 1000
    return {
        'keys': keys,
        'values': values,
        'indices': indices,
        'importance': importance,
        'access_times': access_times,
        'access_frequency': access_frequency,
        'importance_scores': importance_scores,
        'global_time': global_time,
    }


def reference(keys, values, indices, importance, access_times, access_frequency, importance_scores, global_time):
    # --- update_access_info (scatter writes into cache metadata buffers) ---
    gt = jnp.float32(global_time)
    access_times = access_times.at[indices].set(gt)
    # torch `buf[idx] += 1` is gather-then-scatter-set (no duplicate accumulation)
    access_frequency = access_frequency.at[indices].set(access_frequency[indices] + 1.0)
    imp = importance
    if imp.ndim > 1:
        imp = imp.mean(axis=-1)
    importance_scores = importance_scores.at[indices].set(imp)
    global_time_new = global_time + 1

    # --- select_eviction_candidates ---
    cache_len = keys.shape[0]
    if cache_len <= CACHE_SIZE:
        return jnp.zeros((cache_len,), dtype=jnp.bool_)
    # slicing [:cache_len] clamps to buffer length (matches torch semantics)
    valid_times = access_times[:cache_len]
    valid_freq = access_frequency[:cache_len]
    valid_imp = importance_scores[:cache_len]
    time_scores = valid_times / (jnp.float32(global_time_new) + 1e-08)
    freq_scores = valid_freq / (valid_freq.max() + 1e-08)
    imp_scores = valid_imp / (valid_imp.max() + 1e-08)
    priority_scores = TIME_W * time_scores + FREQ_W * freq_scores + IMP_W * imp_scores

    num_to_evict = cache_len - CACHE_SIZE
    _, evict_indices = jax.lax.top_k(-priority_scores, num_to_evict)
    evict_mask = jnp.zeros((cache_len,), dtype=jnp.bool_).at[evict_indices].set(True)
    return (evict_mask, priority_scores, access_times, access_frequency, importance_scores)


if False:  # reference __main__ guard neutralized (emitter)
    out = reference(**setup_inputs())
    print([o.shape for o in out])

if __name__ == "__main__":
    import jax
    _d = setup_inputs()
    print(jax.jit(kernel)(*tuple(_d.values())))

</pallas_src>

<mosaic_0001>
#map = affine_map<(d0, d1) -> (0)>
module attributes {stable_mosaic.version = 14 : i64} {
  func.func @scatter_kernel(%arg0: i32, %arg1: i32, %arg2: memref<16384xi32, #tpu.memory_space<hbm>>, %arg3: memref<16384xf32, #tpu.memory_space<hbm>>, %arg4: memref<16xf32, #tpu.memory_space<hbm>>, %arg5: memref<100000xf32, #tpu.memory_space<hbm>>, %arg6: memref<100000xf32, #tpu.memory_space<hbm>>, %arg7: memref<100000xf32, #tpu.memory_space<hbm>>, %arg8: memref<100352xf32, #tpu.memory_space<hbm>>, %arg9: memref<100352xf32, #tpu.memory_space<hbm>>, %arg10: memref<100352xf32, #tpu.memory_space<hbm>>, %arg11: memref<16384xi32, #tpu.memory_space<vmem>>, %arg12: memref<16384xf32, #tpu.memory_space<vmem>>, %arg13: memref<16xf32, #tpu.memory_space<vmem>>, %arg14: memref<3136xf32, #tpu.memory_space<vmem>>, %arg15: memref<3136xf32, #tpu.memory_space<vmem>>, %arg16: memref<3136xf32, #tpu.memory_space<vmem>>, %arg17: memref<3136xf32, #tpu.memory_space<vmem>>, %arg18: memref<3136xf32, #tpu.memory_space<vmem>>, %arg19: memref<!tpu.dma_semaphore, #tpu.memory_space<semaphore_mem>>, %arg20: memref<!tpu.dma_semaphore, #tpu.memory_space<semaphore_mem>>, %arg21: memref<!tpu.dma_semaphore, #tpu.memory_space<semaphore_mem>>) attributes {dimension_semantics = [#tpu.dimension_semantics<core_parallel>, #tpu.dimension_semantics<subcore_parallel>], iteration_bounds = array<i64: 2, 16>, scalar_prefetch = 0 : i64, scratch_operands = 11 : i64, tpu.core_type = #tpu.core_type<sc_vector_subcore>, window_params = [{transform_indices = #map}, {transform_indices = #map}, {transform_indices = #map}, {transform_indices = #map}, {transform_indices = #map}, {transform_indices = #map}, {transform_indices = #map}, {transform_indices = #map}, {transform_indices = #map}]} {
    %mul3A = arith.constant 2 : i32
    %mul3A_0 = arith.muli %arg1, %mul3A : i32
    %add3A = arith.addi %mul3A_0, %arg0 : i32
    %mul3A_1 = arith.constant 3136 : i32
    %mul3A_2 = arith.muli %add3A, %mul3A_1 : i32
    %min3A = arith.constant 96864 : i32
    %min3A_3 = arith.minsi %mul3A_2, %min3A : i32
    tpu.enqueue_dma source(%arg2 : memref<16384xi32, #tpu.memory_space<hbm>>) target(%arg11 : memref<16384xi32, #tpu.memory_space<vmem>>) target_semaphore(%arg19 : memref<!tpu.dma_semaphore, #tpu.memory_space<semaphore_mem>>)
    tpu.enqueue_dma source(%arg3 : memref<16384xf32, #tpu.memory_space<hbm>>) target(%arg12 : memref<16384xf32, #tpu.memory_space<vmem>>) target_semaphore(%arg19 : memref<!tpu.dma_semaphore, #tpu.memory_space<semaphore_mem>>)
    tpu.enqueue_dma source(%arg4 : memref<16xf32, #tpu.memory_space<hbm>>) target(%arg13 : memref<16xf32, #tpu.memory_space<vmem>>) target_semaphore(%arg19 : memref<!tpu.dma_semaphore, #tpu.memory_space<semaphore_mem>>)
    %dma_start3A = tpu.memref_slice %arg5[%min3A_3] : memref<100000xf32, #tpu.memory_space<hbm>> -> memref<3136xf32, #tpu.memory_space<hbm>>
    %dma_start3A_4 = tpu.memref_slice %arg5[%min3A_3] : memref<100000xf32, #tpu.memory_space<hbm>> -> memref<3136xf32, #tpu.memory_space<hbm>>
    tpu.enqueue_dma source(%dma_start3A_4 : memref<3136xf32, #tpu.memory_space<hbm>>) target(%arg14 : memref<3136xf32, #tpu.memory_space<vmem>>) target_semaphore(%arg20 : memref<!tpu.dma_semaphore, #tpu.memory_space<semaphore_mem>>)
    %dma_start3A_5 = tpu.memref_slice %arg6[%min3A_3] : memref<100000xf32, #tpu.memory_space<hbm>> -> memref<3136xf32, #tpu.memory_space<hbm>>
    %dma_start3A_6 = tpu.memref_slice %arg6[%min3A_3] : memref<100000xf32, #tpu.memory_space<hbm>> -> memref<3136xf32, #tpu.memory_space<hbm>>
    tpu.enqueue_dma source(%dma_start3A_6 : memref<3136xf32, #tpu.memory_space<hbm>>) target(%arg15 : memref<3136xf32, #tpu.memory_space<vmem>>) target_semaphore(%arg20 : memref<!tpu.dma_semaphore, #tpu.memory_space<semaphore_mem>>)
    %dma_start3A_7 = tpu.memref_slice %arg7[%min3A_3] : memref<100000xf32, #tpu.memory_space<hbm>> -> memref<3136xf32, #tpu.memory_space<hbm>>
    %dma_start3A_8 = tpu.memref_slice %arg7[%min3A_3] : memref<100000xf32, #tpu.memory_space<hbm>> -> memref<3136xf32, #tpu.memory_space<hbm>>
    tpu.enqueue_dma source(%dma_start3A_8 : memref<3136xf32, #tpu.memory_space<hbm>>) target(%arg18 : memref<3136xf32, #tpu.memory_space<vmem>>) target_semaphore(%arg20 : memref<!tpu.dma_semaphore, #tpu.memory_space<semaphore_mem>>)
    %broadcast_in_dim3A = arith.constant 0.000000e+00 : f32
    %broadcast_in_dim3A_9 = vector.broadcast %broadcast_in_dim3A : f32 to vector<16xf32>
    %broadcast_in_dim3A_10 = arith.constant 1.000000e+00 : f32
    %broadcast_in_dim3A_11 = vector.broadcast %broadcast_in_dim3A_10 : f32 to vector<16xf32>
    %scan3A = arith.constant 0 : i32
    %scan3A_12 = arith.constant 0 : i32
    %scan3A_13 = arith.constant 192 : i32
    %scan3A_14 = arith.addi %scan3A_12, %scan3A_13 : i32
    %scan3A_15 = arith.constant 8 : i32
    scf.for %scan3A_64 = %scan3A_12 to %scan3A_14 step %scan3A_15  : i32 {
      %mul3A_65 = arith.constant 16 : i32
      %mul3A_66 = arith.muli %scan3A_64, %mul3A_65 : i32
      %swap3A_67 = arith.index_cast %mul3A_66 : i32 to index
      %swap3A_68 = tpu.vector_load %arg16[%swap3A_67] {strides = array<i32>} : memref<3136xf32, #tpu.memory_space<vmem>>, vector<16xf32>,
      tpu.vector_store %arg16[%swap3A_67], %broadcast_in_dim3A_9 {strides = array<i32>} : memref<3136xf32, #tpu.memory_space<vmem>>, vector<16xf32>,
      %scan3A_69 = arith.constant 1 : i32
      %scan3A_70 = arith.addi %scan3A_64, %scan3A_69 : i32
      %mul3A_71 = arith.constant 16 : i32
      %mul3A_72 = arith.muli %scan3A_70, %mul3A_71 : i32
      %swap3A_73 = arith.index_cast %mul3A_72 : i32 to index
      %swap3A_74 = tpu.vector_load %arg16[%swap3A_73] {strides = array<i32>} : memref<3136xf32, #tpu.memory_space<vmem>>, vector<16xf32>,
      tpu.vector_store %arg16[%swap3A_73], %broadcast_in_dim3A_9 {strides = array<i32>} : memref<3136xf32, #tpu.memory_space<vmem>>, vector<16xf32>,
      %scan3A_75 = arith.constant 2 : i32
      %scan3A_76 = arith.addi %scan3A_64, %scan3A_75 : i32
      %mul3A_77 = arith.constant 16 : i32
      %mul3A_78 = arith.muli %scan3A_76, %mul3A_77 : i32
      %swap3A_79 = arith.index_cast %mul3A_78 : i32 to index
      %swap3A_80 = tpu.vector_load %arg16[%swap3A_79] {strides = array<i32>} : memref<3136xf32, #tpu.memory_space<vmem>>, vector<16xf32>,
      tpu.vector_store %arg16[%swap3A_79], %broadcast_in_dim3A_9 {strides = array<i32>} : memref<3136xf32, #tpu.memory_space<vmem>>, vector<16xf32>,
      %scan3A_81 = arith.constant 3 : i32
      %scan3A_82 = arith.addi %scan3A_64, %scan3A_81 : i32
      %mul3A_83 = arith.constant 16 : i32
      %mul3A_84 = arith.muli %scan3A_82, %mul3A_83 : i32
      %swap3A_85 = arith.index_cast %mul3A_84 : i32 to index
      %swap3A_86 = tpu.vector_load %arg16[%swap3A_85] {strides = array<i32>} : memref<3136xf32, #tpu.memory_space<vmem>>, vector<16xf32>,
      tpu.vector_store %arg16[%swap3A_85], %broadcast_in_dim3A_9 {strides = array<i32>} : memref<3136xf32, #tpu.memory_space<vmem>>, vector<16xf32>,
      %scan3A_87 = arith.constant 4 : i32
      %scan3A_88 = arith.addi %scan3A_64, %scan3A_87 : i32
      %mul3A_89 = arith.constant 16 : i32
      %mul3A_90 = arith.muli %scan3A_88, %mul3A_89 : i32
      %swap3A_91 = arith.index_cast %mul3A_90 : i32 to index
      %swap3A_92 = tpu.vector_load %arg16[%swap3A_91] {strides = array<i32>} : memref<3136xf32, #tpu.memory_space<vmem>>, vector<16xf32>,
      tpu.vector_store %arg16[%swap3A_91], %broadcast_in_dim3A_9 {strides = array<i32>} : memref<3136xf32, #tpu.memory_space<vmem>>, vector<16xf32>,
      %scan3A_93 = arith.constant 5 : i32
      %scan3A_94 = arith.addi %scan3A_64, %scan3A_93 : i32
      %mul3A_95 = arith.constant 16 : i32
      %mul3A_96 = arith.muli %scan3A_94, %mul3A_95 : i32
      %swap3A_97 = arith.index_cast %mul3A_96 : i32 to index
      %swap3A_98 = tpu.vector_load %arg16[%swap3A_97] {strides = array<i32>} : memref<3136xf32, #tpu.memory_space<vmem>>, vector<16xf32>,
      tpu.vector_store %arg16[%swap3A_97], %broadcast_in_dim3A_9 {strides = array<i32>} : memref<3136xf32, #tpu.memory_space<vmem>>, vector<16xf32>,
      %scan3A_99 = arith.constant 6 : i32
      %scan3A_100 = arith.addi %scan3A_64, %scan3A_99 : i32
      %mul3A_101 = arith.constant 16 : i32
      %mul3A_102 = arith.muli %scan3A_100, %mul3A_101 : i32
      %swap3A_103 = arith.index_cast %mul3A_102 : i32 to index
      %swap3A_104 = tpu.vector_load %arg16[%swap3A_103] {strides = array<i32>} : memref<3136xf32, #tpu.memory_space<vmem>>, vector<16xf32>,
      tpu.vector_store %arg16[%swap3A_103], %broadcast_in_dim3A_9 {strides = array<i32>} : memref<3136xf32, #tpu.memory_space<vmem>>, vector<16xf32>,
      %scan3A_105 = arith.constant 7 : i32
      %scan3A_106 = arith.addi %scan3A_64, %scan3A_105 : i32
      %mul3A_107 = arith.constant 16 : i32
      %mul3A_108 = arith.muli %scan3A_106, %mul3A_107 : i32
      %swap3A_109 = arith.index_cast %mul3A_108 : i32 to index
      %swap3A_110 = tpu.vector_load %arg16[%swap3A_109] {strides = array<i32>} : memref<3136xf32, #tpu.memory_space<vmem>>, vector<16xf32>,
      tpu.vector_store %arg16[%swap3A_109], %broadcast_in_dim3A_9 {strides = array<i32>} : memref<3136xf32, #tpu.memory_space<vmem>>, vector<16xf32>,
    }
    %scan3A_16 = arith.constant 192 : i32
    %scan3A_17 = arith.addi %scan3A_12, %scan3A_16 : i32
    %mul3A_18 = arith.constant 16 : i32
    %mul3A_19 = arith.muli %scan3A_17, %mul3A_18 : i32
    %swap3A = arith.index_cast %mul3A_19 : i32 to index
    %swap3A_20 = tpu.vector_load %arg16[%swap3A] {strides = array<i32>} : memref<3136xf32, #tpu.memory_space<vmem>>, vector<16xf32>,
    tpu.vector_store %arg16[%swap3A], %broadcast_in_dim3A_9 {strides = array<i32>} : memref<3136xf32, #tpu.memory_space<vmem>>, vector<16xf32>,
    %scan3A_21 = arith.constant 193 : i32
    %scan3A_22 = arith.addi %scan3A_12, %scan3A_21 : i32
    %mul3A_23 = arith.constant 16 : i32
    %mul3A_24 = arith.muli %scan3A_22, %mul3A_23 : i32
    %swap3A_25 = arith.index_cast %mul3A_24 : i32 to index
    %swap3A_26 = tpu.vector_load %arg16[%swap3A_25] {strides = array<i32>} : memref<3136xf32, #tpu.memory_space<vmem>>, vector<16xf32>,
    tpu.vector_store %arg16[%swap3A_25], %broadcast_in_dim3A_9 {strides = array<i32>} : memref<3136xf32, #tpu.memory_space<vmem>>, vector<16xf32>,
    %scan3A_27 = arith.constant 194 : i32
    %scan3A_28 = arith.addi %scan3A_12, %scan3A_27 : i32
    %mul3A_29 = arith.constant 16 : i32
    %mul3A_30 = arith.muli %scan3A_28, %mul3A_29 : i32
    %swap3A_31 = arith.index_cast %mul3A_30 : i32 to index
    %swap3A_32 = tpu.vector_load %arg16[%swap3A_31] {strides = array<i32>} : memref<3136xf32, #tpu.memory_space<vmem>>, vector<16xf32>,
    tpu.vector_store %arg16[%swap3A_31], %broadcast_in_dim3A_9 {strides = array<i32>} : memref<3136xf32, #tpu.memory_space<vmem>>, vector<16xf32>,
    %scan3A_33 = arith.constant 195 : i32
    %scan3A_34 = arith.addi %scan3A_12, %scan3A_33 : i32
    %mul3A_35 = arith.constant 16 : i32
    %mul3A_36 = arith.muli %scan3A_34, %mul3A_35 : i32
    %swap3A_37 = arith.index_cast %mul3A_36 : i32 to index
    %swap3A_38 = tpu.vector_load %arg16[%swap3A_37] {strides = array<i32>} : memref<3136xf32, #tpu.memory_space<vmem>>, vector<16xf32>,
    tpu.vector_store %arg16[%swap3A_37], %broadcast_in_dim3A_9 {strides = array<i32>} : memref<3136xf32, #tpu.memory_space<vmem>>, vector<16xf32>,
    %scan3A_39 = arith.constant 196 : i32
    tpu.wait_dma2 semaphore(%arg19 : memref<!tpu.dma_semaphore, #tpu.memory_space<semaphore_mem>>) src(%arg2 : memref<16384xi32, #tpu.memory_space<hbm>>) dst(%arg11 : memref<16384xi32, #tpu.memory_space<vmem>>)
    tpu.wait_dma2 semaphore(%arg19 : memref<!tpu.dma_semaphore, #tpu.memory_space<semaphore_mem>>) src(%arg3 : memref<16384xf32, #tpu.memory_space<hbm>>) dst(%arg12 : memref<16384xf32, #tpu.memory_space<vmem>>)
    tpu.wait_dma2 semaphore(%arg19 : memref<!tpu.dma_semaphore, #tpu.memory_space<semaphore_mem>>) src(%arg4 : memref<16xf32, #tpu.memory_space<hbm>>) dst(%arg13 : memref<16xf32, #tpu.memory_space<vmem>>)
    %scan3A_40 = arith.constant 0 : i32
    %scan3A_41 = arith.constant 0 : i32
    %scan3A_42 = arith.constant 1024 : i32
    %scan3A_43 = arith.addi %scan3A_41, %scan3A_42 : i32
    %scan3A_44 = arith.constant 8 : i32
    scf.for %scan3A_64 = %scan3A_41 to %scan3A_43 step %scan3A_44  : i32 {
      %mul3A_65 = arith.constant 16 : i32
      %mul3A_66 = arith.muli %scan3A_64, %mul3A_65 : i32
      %get3A_67 = arith.index_cast %mul3A_66 : i32 to index
      %get3A_68 = tpu.vector_load %arg11[%get3A_67] {strides = array<i32>} : memref<16384xi32, #tpu.memory_space<vmem>>, vector<16xi32>,
      %ge3A = vector.broadcast %mul3A_2 : i32 to vector<16xi32>
      %ge3A_69 = arith.cmpi sge, %get3A_68, %ge3A : vector<16xi32>
      %add3A_70 = arith.constant 3136 : i32
      %add3A_71 = arith.addi %mul3A_2, %add3A_70 : i32
      %lt3A_72 = vector.broadcast %add3A_71 : i32 to vector<16xi32>
      %lt3A_73 = arith.cmpi slt, %get3A_68, %lt3A_72 : vector<16xi32>
      %and3A = arith.andi %ge3A_69, %lt3A_73 : vector<16xi1>
      %sub3A = vector.broadcast %min3A_3 : i32 to vector<16xi32>
      %sub3A_74 = arith.subi %get3A_68, %sub3A : vector<16xi32>
      %jit3A = arith.constant 0 : i32
      %broadcast_in_dim3A_75 = vector.broadcast %jit3A : i32 to vector<16xi32>
      %select_n3A = arith.select %and3A, %sub3A_74, %broadcast_in_dim3A_75 : vector<16xi1>, vector<16xi32>
      tpu.vector_store_idx %arg16[%select_n3A], %broadcast_in_dim3A_11 masked %and3A : memref<3136xf32, #tpu.memory_space<vmem>>[vector<16xi32>], vector<16xf32>, vector<16xi1>
      %mul3A_76 = arith.constant 16 : i32
      %mul3A_77 = arith.muli %scan3A_64, %mul3A_76 : i32
      %get3A_78 = arith.index_cast %mul3A_77 : i32 to index
      %get3A_79 = tpu.vector_load %arg12[%get3A_78] {strides = array<i32>} : memref<16384xf32, #tpu.memory_space<vmem>>, vector<16xf32>,
      tpu.vector_store_idx %arg17[%select_n3A], %get3A_79 masked %and3A : memref<3136xf32, #tpu.memory_space<vmem>>[vector<16xi32>], vector<16xf32>, vector<16xi1>
      %scan3A_80 = arith.constant 1 : i32
      %scan3A_81 = arith.addi %scan3A_64, %scan3A_80 : i32
      %mul3A_82 = arith.constant 16 : i32
      %mul3A_83 = arith.muli %scan3A_81, %mul3A_82 : i32
      %get3A_84 = arith.index_cast %mul3A_83 : i32 to index
      %get3A_85 = tpu.vector_load %arg11[%get3A_84] {strides = array<i32>} : memref<16384xi32, #tpu.memory_space<vmem>>, vector<16xi32>,
      %ge3A_86 = vector.broadcast %mul3A_2 : i32 to vector<16xi32>
      %ge3A_87 = arith.cmpi sge, %get3A_85, %ge3A_86 : vector<16xi32>
      %add3A_88 = arith.constant 3136 : i32
      %add3A_89 = arith.addi %mul3A_2, %add3A_88 : i32
      %lt3A_90 = vector.broadcast %add3A_89 : i32 to vector<16xi32>
      %lt3A_91 = arith.cmpi slt, %get3A_85, %lt3A_90 : vector<16xi32>
      %and3A_92 = arith.andi %ge3A_87, %lt3A_91 : vector<16xi1>
      %sub3A_93 = vector.broadcast %min3A_3 : i32 to vector<16xi32>
      %sub3A_94 = arith.subi %get3A_85, %sub3A_93 : vector<16xi32>
      %jit3A_95 = arith.constant 0 : i32
      %broadcast_in_dim3A_96 = vector.broadcast %jit3A_95 : i32 to vector<16xi32>
      %select_n3A_97 = arith.select %and3A_92, %sub3A_94, %broadcast_in_dim3A_96 : vector<16xi1>, vector<16xi32>
      tpu.vector_store_idx %arg16[%select_n3A_97], %broadcast_in_dim3A_11 masked %and3A_92 : memref<3136xf32, #tpu.memory_space<vmem>>[vector<16xi32>], vector<16xf32>, vector<16xi1>
      %mul3A_98 = arith.constant 16 : i32
      %mul3A_99 = arith.muli %scan3A_81, %mul3A_98 : i32
      %get3A_100 = arith.index_cast %mul3A_99 : i32 to index
      %get3A_101 = tpu.vector_load %arg12[%get3A_100] {strides = array<i32>} : memref<16384xf32, #tpu.memory_space<vmem>>, vector<16xf32>,
      tpu.vector_store_idx %arg17[%select_n3A_97], %get3A_101 masked %and3A_92 : memref<3136xf32, #tpu.memory_space<vmem>>[vector<16xi32>], vector<16xf32>, vector<16xi1>
      %scan3A_102 = arith.constant 2 : i32
      %scan3A_103 = arith.addi %scan3A_64, %scan3A_102 : i32
      %mul3A_104 = arith.constant 16 : i32
      %mul3A_105 = arith.muli %scan3A_103, %mul3A_104 : i32
      %get3A_106 = arith.index_cast %mul3A_105 : i32 to index
      %get3A_107 = tpu.vector_load %arg11[%get3A_106] {strides = array<i32>} : memref<16384xi32, #tpu.memory_space<vmem>>, vector<16xi32>,
      %ge3A_108 = vector.broadcast %mul3A_2 : i32 to vector<16xi32>
      %ge3A_109 = arith.cmpi sge, %get3A_107, %ge3A_108 : vector<16xi32>
      %add3A_110 = arith.constant 3136 : i32
      %add3A_111 = arith.addi %mul3A_2, %add3A_110 : i32
      %lt3A_112 = vector.broadcast %add3A_111 : i32 to vector<16xi32>
      %lt3A_113 = arith.cmpi slt, %get3A_107, %lt3A_112 : vector<16xi32>
      %and3A_114 = arith.andi %ge3A_109, %lt3A_113 : vector<16xi1>
      %sub3A_115 = vector.broadcast %min3A_3 : i32 to vector<16xi32>
      %sub3A_116 = arith.subi %get3A_107, %sub3A_115 : vector<16xi32>
      %jit3A_117 = arith.constant 0 : i32
      %broadcast_in_dim3A_118 = vector.broadcast %jit3A_117 : i32 to vector<16xi32>
      %select_n3A_119 = arith.select %and3A_114, %sub3A_116, %broadcast_in_dim3A_118 : vector<16xi1>, vector<16xi32>
      tpu.vector_store_idx %arg16[%select_n3A_119], %broadcast_in_dim3A_11 masked %and3A_114 : memref<3136xf32, #tpu.memory_space<vmem>>[vector<16xi32>], vector<16xf32>, vector<16xi1>
      %mul3A_120 = arith.constant 16 : i32
      %mul3A_121 = arith.muli %scan3A_103, %mul3A_120 : i32
      %get3A_122 = arith.index_cast %mul3A_121 : i32 to index
      %get3A_123 = tpu.vector_load %arg12[%get3A_122] {strides = array<i32>} : memref<16384xf32, #tpu.memory_space<vmem>>, vector<16xf32>,
      tpu.vector_store_idx %arg17[%select_n3A_119], %get3A_123 masked %and3A_114 : memref<3136xf32, #tpu.memory_space<vmem>>[vector<16xi32>], vector<16xf32>, vector<16xi1>
      %scan3A_124 = arith.constant 3 : i32
      %scan3A_125 = arith.addi %scan3A_64, %scan3A_124 : i32
      %mul3A_126 = arith.constant 16 : i32
      %mul3A_127 = arith.muli %scan3A_125, %mul3A_126 : i32
      %get3A_128 = arith.index_cast %mul3A_127 : i32 to index
      %get3A_129 = tpu.vector_load %arg11[%get3A_128] {strides = array<i32>} : memref<16384xi32, #tpu.memory_space<vmem>>, vector<16xi32>,
      %ge3A_130 = vector.broadcast %mul3A_2 : i32 to vector<16xi32>
      %ge3A_131 = arith.cmpi sge, %get3A_129, %ge3A_130 : vector<16xi32>
      %add3A_132 = arith.constant 3136 : i32
      %add3A_133 = arith.addi %mul3A_2, %add3A_132 : i32
      %lt3A_134 = vector.broadcast %add3A_133 : i32 to vector<16xi32>
      %lt3A_135 = arith.cmpi slt, %get3A_129, %lt3A_134 : vector<16xi32>
      %and3A_136 = arith.andi %ge3A_131, %lt3A_135 : vector<16xi1>
      %sub3A_137 = vector.broadcast %min3A_3 : i32 to vector<16xi32>
      %sub3A_138 = arith.subi %get3A_129, %sub3A_137 : vector<16xi32>
      %jit3A_139 = arith.constant 0 : i32
      %broadcast_in_dim3A_140 = vector.broadcast %jit3A_139 : i32 to vector<16xi32>
      %select_n3A_141 = arith.select %and3A_136, %sub3A_138, %broadcast_in_dim3A_140 : vector<16xi1>, vector<16xi32>
      tpu.vector_store_idx %arg16[%select_n3A_141], %broadcast_in_dim3A_11 masked %and3A_136 : memref<3136xf32, #tpu.memory_space<vmem>>[vector<16xi32>], vector<16xf32>, vector<16xi1>
      %mul3A_142 = arith.constant 16 : i32
      %mul3A_143 = arith.muli %scan3A_125, %mul3A_142 : i32
      %get3A_144 = arith.index_cast %mul3A_143 : i32 to index
      %get3A_145 = tpu.vector_load %arg12[%get3A_144] {strides = array<i32>} : memref<16384xf32, #tpu.memory_space<vmem>>, vector<16xf32>,
      tpu.vector_store_idx %arg17[%select_n3A_141], %get3A_145 masked %and3A_136 : memref<3136xf32, #tpu.memory_space<vmem>>[vector<16xi32>], vector<16xf32>, vector<16xi1>
      %scan3A_146 = arith.constant 4 : i32
      %scan3A_147 = arith.addi %scan3A_64, %scan3A_146 : i32
      %mul3A_148 = arith.constant 16 : i32
      %mul3A_149 = arith.muli %scan3A_147, %mul3A_148 : i32
      %get3A_150 = arith.index_cast %mul3A_149 : i32 to index
      %get3A_151 = tpu.vector_load %arg11[%get3A_150] {strides = array<i32>} : memref<16384xi32, #tpu.memory_space<vmem>>, vector<16xi32>,
      %ge3A_152 = vector.broadcast %mul3A_2 : i32 to vector<16xi32>
      %ge3A_153 = arith.cmpi sge, %get3A_151, %ge3A_152 : vector<16xi32>
      %add3A_154 = arith.constant 3136 : i32
      %add3A_155 = arith.addi %mul3A_2, %add3A_154 : i32
      %lt3A_156 = vector.broadcast %add3A_155 : i32 to vector<16xi32>
      %lt3A_157 = arith.cmpi slt, %get3A_151, %lt3A_156 : vector<16xi32>
      %and3A_158 = arith.andi %ge3A_153, %lt3A_157 : vector<16xi1>
      %sub3A_159 = vector.broadcast %min3A_3 : i32 to vector<16xi32>
      %sub3A_160 = arith.subi %get3A_151, %sub3A_159 : vector<16xi32>
      %jit3A_161 = arith.constant 0 : i32
      %broadcast_in_dim3A_162 = vector.broadcast %jit3A_161 : i32 to vector<16xi32>
      %select_n3A_163 = arith.select %and3A_158, %sub3A_160, %broadcast_in_dim3A_162 : vector<16xi1>, vector<16xi32>
      tpu.vector_store_idx %arg16[%select_n3A_163], %broadcast_in_dim3A_11 masked %and3A_158 : memref<3136xf32, #tpu.memory_space<vmem>>[vector<16xi32>], vector<16xf32>, vector<16xi1>
      %mul3A_164 = arith.constant 16 : i32
      %mul3A_165 = arith.muli %scan3A_147, %mul3A_164 : i32
      %get3A_166 = arith.index_cast %mul3A_165 : i32 to index
      %get3A_167 = tpu.vector_load %arg12[%get3A_166] {strides = array<i32>} : memref<16384xf32, #tpu.memory_space<vmem>>, vector<16xf32>,
      tpu.vector_store_idx %arg17[%select_n3A_163], %get3A_167 masked %and3A_158 : memref<3136xf32, #tpu.memory_space<vmem>>[vector<16xi32>], vector<16xf32>, vector<16xi1>
      %scan3A_168 = arith.constant 5 : i32
      %scan3A_169 = arith.addi %scan3A_64, %scan3A_168 : i32
      %mul3A_170 = arith.constant 16 : i32
      %mul3A_171 = arith.muli %scan3A_169, %mul3A_170 : i32
      %get3A_172 = arith.index_cast %mul3A_171 : i32 to index
      %get3A_173 = tpu.vector_load %arg11[%get3A_172] {strides = array<i32>} : memref<16384xi32, #tpu.memory_space<vmem>>, vector<16xi32>,
      %ge3A_174 = vector.broadcast %mul3A_2 : i32 to vector<16xi32>
      %ge3A_175 = arith.cmpi sge, %get3A_173, %ge3A_174 : vector<16xi32>
      %add3A_176 = arith.constant 3136 : i32
      %add3A_177 = arith.addi %mul3A_2, %add3A_176 : i32
      %lt3A_178 = vector.broadcast %add3A_177 : i32 to vector<16xi32>
      %lt3A_179 = arith.cmpi slt, %get3A_173, %lt3A_178 : vector<16xi32>
      %and3A_180 = arith.andi %ge3A_175, %lt3A_179 : vector<16xi1>
      %sub3A_181 = vector.broadcast %min3A_3 : i32 to vector<16xi32>
      %sub3A_182 = arith.subi %get3A_173, %sub3A_181 : vector<16xi32>
      %jit3A_183 = arith.constant 0 : i32
      %broadcast_in_dim3A_184 = vector.broadcast %jit3A_183 : i32 to vector<16xi32>
      %select_n3A_185 = arith.select %and3A_180, %sub3A_182, %broadcast_in_dim3A_184 : vector<16xi1>, vector<16xi32>
      tpu.vector_store_idx %arg16[%select_n3A_185], %broadcast_in_dim3A_11 masked %and3A_180 : memref<3136xf32, #tpu.memory_space<vmem>>[vector<16xi32>], vector<16xf32>, vector<16xi1>
      %mul3A_186 = arith.constant 16 : i32
      %mul3A_187 = arith.muli %scan3A_169, %mul3A_186 : i32
      %get3A_188 = arith.index_cast %mul3A_187 : i32 to index
      %get3A_189 = tpu.vector_load %arg12[%get3A_188] {strides = array<i32>} : memref<16384xf32, #tpu.memory_space<vmem>>, vector<16xf32>,
      tpu.vector_store_idx %arg17[%select_n3A_185], %get3A_189 masked %and3A_180 : memref<3136xf32, #tpu.memory_space<vmem>>[vector<16xi32>], vector<16xf32>, vector<16xi1>
      %scan3A_190 = arith.constant 6 : i32
      %scan3A_191 = arith.addi %scan3A_64, %scan3A_190 : i32
      %mul3A_192 = arith.constant 16 : i32
      %mul3A_193 = arith.muli %scan3A_191, %mul3A_192 : i32
      %get3A_194 = arith.index_cast %mul3A_193 : i32 to index
      %get3A_195 = tpu.vector_load %arg11[%get3A_194] {strides = array<i32>} : memref<16384xi32, #tpu.memory_space<vmem>>, vector<16xi32>,
      %ge3A_196 = vector.broadcast %mul3A_2 : i32 to vector<16xi32>
      %ge3A_197 = arith.cmpi sge, %get3A_195, %ge3A_196 : vector<16xi32>
      %add3A_198 = arith.constant 3136 : i32
      %add3A_199 = arith.addi %mul3A_2, %add3A_198 : i32
      %lt3A_200 = vector.broadcast %add3A_199 : i32 to vector<16xi32>
      %lt3A_201 = arith.cmpi slt, %get3A_195, %lt3A_200 : vector<16xi32>
      %and3A_202 = arith.andi %ge3A_197, %lt3A_201 : vector<16xi1>
      %sub3A_203 = vector.broadcast %min3A_3 : i32 to vector<16xi32>
      %sub3A_204 = arith.subi %get3A_195, %sub3A_203 : vector<16xi32>
      %jit3A_205 = arith.constant 0 : i32
      %broadcast_in_dim3A_206 = vector.broadcast %jit3A_205 : i32 to vector<16xi32>
      %select_n3A_207 = arith.select %and3A_202, %sub3A_204, %broadcast_in_dim3A_206 : vector<16xi1>, vector<16xi32>
      tpu.vector_store_idx %arg16[%select_n3A_207], %broadcast_in_dim3A_11 masked %and3A_202 : memref<3136xf32, #tpu.memory_space<vmem>>[vector<16xi32>], vector<16xf32>, vector<16xi1>
      %mul3A_208 = arith.constant 16 : i32
      %mul3A_209 = arith.muli %scan3A_191, %mul3A_208 : i32
      %get3A_210 = arith.index_cast %mul3A_209 : i32 to index
      %get3A_211 = tpu.vector_load %arg12[%get3A_210] {strides = array<i32>} : memref<16384xf32, #tpu.memory_space<vmem>>, vector<16xf32>,
      tpu.vector_store_idx %arg17[%select_n3A_207], %get3A_211 masked %and3A_202 : memref<3136xf32, #tpu.memory_space<vmem>>[vector<16xi32>], vector<16xf32>, vector<16xi1>
      %scan3A_212 = arith.constant 7 : i32
      %scan3A_213 = arith.addi %scan3A_64, %scan3A_212 : i32
      %mul3A_214 = arith.constant 16 : i32
      %mul3A_215 = arith.muli %scan3A_213, %mul3A_214 : i32
      %get3A_216 = arith.index_cast %mul3A_215 : i32 to index
      %get3A_217 = tpu.vector_load %arg11[%get3A_216] {strides = array<i32>} : memref<16384xi32, #tpu.memory_space<vmem>>, vector<16xi32>,
      %ge3A_218 = vector.broadcast %mul3A_2 : i32 to vector<16xi32>
      %ge3A_219 = arith.cmpi sge, %get3A_217, %ge3A_218 : vector<16xi32>
      %add3A_220 = arith.constant 3136 : i32
      %add3A_221 = arith.addi %mul3A_2, %add3A_220 : i32
      %lt3A_222 = vector.broadcast %add3A_221 : i32 to vector<16xi32>
      %lt3A_223 = arith.cmpi slt, %get3A_217, %lt3A_222 : vector<16xi32>
      %and3A_224 = arith.andi %ge3A_219, %lt3A_223 : vector<16xi1>
      %sub3A_225 = vector.broadcast %min3A_3 : i32 to vector<16xi32>
      %sub3A_226 = arith.subi %get3A_217, %sub3A_225 : vector<16xi32>
      %jit3A_227 = arith.constant 0 : i32
      %broadcast_in_dim3A_228 = vector.broadcast %jit3A_227 : i32 to vector<16xi32>
      %select_n3A_229 = arith.select %and3A_224, %sub3A_226, %broadcast_in_dim3A_228 : vector<16xi1>, vector<16xi32>
      tpu.vector_store_idx %arg16[%select_n3A_229], %broadcast_in_dim3A_11 masked %and3A_224 : memref<3136xf32, #tpu.memory_space<vmem>>[vector<16xi32>], vector<16xf32>, vector<16xi1>
      %mul3A_230 = arith.constant 16 : i32
      %mul3A_231 = arith.muli %scan3A_213, %mul3A_230 : i32
      %get3A_232 = arith.index_cast %mul3A_231 : i32 to index
      %get3A_233 = tpu.vector_load %arg12[%get3A_232] {strides = array<i32>} : memref<16384xf32, #tpu.memory_space<vmem>>, vector<16xf32>,
      tpu.vector_store_idx %arg17[%select_n3A_229], %get3A_233 masked %and3A_224 : memref<3136xf32, #tpu.memory_space<vmem>>[vector<16xi32>], vector<16xf32>, vector<16xi1>
    }
    %scan3A_45 = arith.constant 1024 : i32
    %dma_wait3A = tpu.memref_slice %arg5[%min3A_3] : memref<100000xf32, #tpu.memory_space<hbm>> -> memref<3136xf32, #tpu.memory_space<hbm>>
    %dma_wait3A_46 = tpu.memref_slice %arg5[%min3A_3] : memref<100000xf32, #tpu.memory_space<hbm>> -> memref<3136xf32, #tpu.memory_space<hbm>>
    tpu.wait_dma2 semaphore(%arg20 : memref<!tpu.dma_semaphore, #tpu.memory_space<semaphore_mem>>) src(%dma_wait3A_46 : memref<3136xf32, #tpu.memory_space<hbm>>) dst(%arg14 : memref<3136xf32, #tpu.memory_space<vmem>>)
    %dma_wait3A_47 = tpu.memref_slice %arg6[%min3A_3] : memref<100000xf32, #tpu.memory_space<hbm>> -> memref<3136xf32, #tpu.memory_space<hbm>>
    %dma_wait3A_48 = tpu.memref_slice %arg6[%min3A_3] : memref<100000xf32, #tpu.memory_space<hbm>> -> memref<3136xf32, #tpu.memory_space<hbm>>
    tpu.wait_dma2 semaphore(%arg20 : memref<!tpu.dma_semaphore, #tpu.memory_space<semaphore_mem>>) src(%dma_wait3A_48 : memref<3136xf32, #tpu.memory_space<hbm>>) dst(%arg15 : memref<3136xf32, #tpu.memory_space<vmem>>)
    %dma_wait3A_49 = tpu.memref_slice %arg7[%min3A_3] : memref<100000xf32, #tpu.memory_space<hbm>> -> memref<3136xf32, #tpu.memory_space<hbm>>
    %dma_wait3A_50 = tpu.memref_slice %arg7[%min3A_3] : memref<100000xf32, #tpu.memory_space<hbm>> -> memref<3136xf32, #tpu.memory_space<hbm>>
    tpu.wait_dma2 semaphore(%arg20 : memref<!tpu.dma_semaphore, #tpu.memory_space<semaphore_mem>>) src(%dma_wait3A_50 : memref<3136xf32, #tpu.memory_space<hbm>>) dst(%arg18 : memref<3136xf32, #tpu.memory_space<vmem>>)
    %get3A = arith.constant 0 : index
    %get3A_51 = tpu.vector_load %arg13[%get3A] {strides = array<i32>} : memref<16xf32, #tpu.memory_space<vmem>>, vector<16xf32>,
    %scan3A_52 = arith.constant 0 : i32
    %scan3A_53 = arith.constant 0 : i32
    %scan3A_54 = arith.constant 196 : i32
    %scan3A_55 = arith.addi %scan3A_53, %scan3A_54 : i32
    %scan3A_56 = arith.constant 4 : i32
    scf.for %scan3A_64 = %scan3A_53 to %scan3A_55 step %scan3A_56  : i32 {
      %mul3A_65 = arith.constant 16 : i32
      %mul3A_66 = arith.muli %scan3A_64, %mul3A_65 : i32
      %get3A_67 = arith.index_cast %mul3A_66 : i32 to index
      %get3A_68 = tpu.vector_load %arg16[%get3A_67] {strides = array<i32>} : memref<3136xf32, #tpu.memory_space<vmem>>, vector<16xf32>,
      %gt3A = arith.constant 0.000000e+00 : f32
      %gt3A_69 = vector.broadcast %gt3A : f32 to vector<16xf32>
      %gt3A_70 = arith.cmpf ogt, %get3A_68, %gt3A_69 : vector<16xf32>
      %get3A_71 = arith.index_cast %mul3A_66 : i32 to index
      %get3A_72 = tpu.vector_load %arg14[%get3A_71] {strides = array<i32>} : memref<3136xf32, #tpu.memory_space<vmem>>, vector<16xf32>,
      %select_n3A = arith.select %gt3A_70, %get3A_51, %get3A_72 : vector<16xi1>, vector<16xf32>
      %swap3A_73 = arith.index_cast %mul3A_66 : i32 to index
      %swap3A_74 = tpu.vector_load %arg14[%swap3A_73] {strides = array<i32>} : memref<3136xf32, #tpu.memory_space<vmem>>, vector<16xf32>,
      tpu.vector_store %arg14[%swap3A_73], %select_n3A {strides = array<i32>} : memref<3136xf32, #tpu.memory_space<vmem>>, vector<16xf32>,
      %get3A_75 = arith.index_cast %mul3A_66 : i32 to index
      %get3A_76 = tpu.vector_load %arg15[%get3A_75] {strides = array<i32>} : memref<3136xf32, #tpu.memory_space<vmem>>, vector<16xf32>,
      %add3A_77 = arith.addf %get3A_76, %get3A_68 : vector<16xf32>
      %swap3A_78 = arith.index_cast %mul3A_66 : i32 to index
      %swap3A_79 = tpu.vector_load %arg15[%swap3A_78] {strides = array<i32>} : memref<3136xf32, #tpu.memory_space<vmem>>, vector<16xf32>,
      tpu.vector_store %arg15[%swap3A_78], %add3A_77 {strides = array<i32>} : memref<3136xf32, #tpu.memory_space<vmem>>, vector<16xf32>,
      %get3A_80 = arith.index_cast %mul3A_66 : i32 to index
      %get3A_81 = tpu.vector_load %arg17[%get3A_80] {strides = array<i32>} : memref<3136xf32, #tpu.memory_space<vmem>>, vector<16xf32>,
      %get3A_82 = arith.index_cast %mul3A_66 : i32 to index
      %get3A_83 = tpu.vector_load %arg18[%get3A_82] {strides = array<i32>} : memref<3136xf32, #tpu.memory_space<vmem>>, vector<16xf32>,
      %select_n3A_84 = arith.select %gt3A_70, %get3A_81, %get3A_83 : vector<16xi1>, vector<16xf32>
      %swap3A_85 = arith.index_cast %mul3A_66 : i32 to index
      %swap3A_86 = tpu.vector_load %arg18[%swap3A_85] {strides = array<i32>} : memref<3136xf32, #tpu.memory_space<vmem>>, vector<16xf32>,
      tpu.vector_store %arg18[%swap3A_85], %select_n3A_84 {strides = array<i32>} : memref<3136xf32, #tpu.memory_space<vmem>>, vector<16xf32>,
      %scan3A_87 = arith.constant 1 : i32
      %scan3A_88 = arith.addi %scan3A_64, %scan3A_87 : i32
      %mul3A_89 = arith.constant 16 : i32
      %mul3A_90 = arith.muli %scan3A_88, %mul3A_89 : i32
      %get3A_91 = arith.index_cast %mul3A_90 : i32 to index
      %get3A_92 = tpu.vector_load %arg16[%get3A_91] {strides = array<i32>} : memref<3136xf32, #tpu.memory_space<vmem>>, vector<16xf32>,
      %gt3A_93 = arith.constant 0.000000e+00 : f32
      %gt3A_94 = vector.broadcast %gt3A_93 : f32 to vector<16xf32>
      %gt3A_95 = arith.cmpf ogt, %get3A_92, %gt3A_94 : vector<16xf32>
      %get3A_96 = arith.index_cast %mul3A_90 : i32 to index
      %get3A_97 = tpu.vector_load %arg14[%get3A_96] {strides = array<i32>} : memref<3136xf32, #tpu.memory_space<vmem>>, vector<16xf32>,
      %select_n3A_98 = arith.select %gt3A_95, %get3A_51, %get3A_97 : vector<16xi1>, vector<16xf32>
      %swap3A_99 = arith.index_cast %mul3A_90 : i32 to index
      %swap3A_100 = tpu.vector_load %arg14[%swap3A_99] {strides = array<i32>} : memref<3136xf32, #tpu.memory_space<vmem>>, vector<16xf32>,
      tpu.vector_store %arg14[%swap3A_99], %select_n3A_98 {strides = array<i32>} : memref<3136xf32, #tpu.memory_space<vmem>>, vector<16xf32>,
      %get3A_101 = arith.index_cast %mul3A_90 : i32 to index
      %get3A_102 = tpu.vector_load %arg15[%get3A_101] {strides = array<i32>} : memref<3136xf32, #tpu.memory_space<vmem>>, vector<16xf32>,
      %add3A_103 = arith.addf %get3A_102, %get3A_92 : vector<16xf32>
      %swap3A_104 = arith.index_cast %mul3A_90 : i32 to index
      %swap3A_105 = tpu.vector_load %arg15[%swap3A_104] {strides = array<i32>} : memref<3136xf32, #tpu.memory_space<vmem>>, vector<16xf32>,
      tpu.vector_store %arg15[%swap3A_104], %add3A_103 {strides = array<i32>} : memref<3136xf32, #tpu.memory_space<vmem>>, vector<16xf32>,
      %get3A_106 = arith.index_cast %mul3A_90 : i32 to index
      %get3A_107 = tpu.vector_load %arg17[%get3A_106] {strides = array<i32>} : memref<3136xf32, #tpu.memory_space<vmem>>, vector<16xf32>,
      %get3A_108 = arith.index_cast %mul3A_90 : i32 to index
      %get3A_109 = tpu.vector_load %arg18[%get3A_108] {strides = array<i32>} : memref<3136xf32, #tpu.memory_space<vmem>>, vector<16xf32>,
      %select_n3A_110 = arith.select %gt3A_95, %get3A_107, %get3A_109 : vector<16xi1>, vector<16xf32>
      %swap3A_111 = arith.index_cast %mul3A_90 : i32 to index
      %swap3A_112 = tpu.vector_load %arg18[%swap3A_111] {strides = array<i32>} : memref<3136xf32, #tpu.memory_space<vmem>>, vector<16xf32>,
      tpu.vector_store %arg18[%swap3A_111], %select_n3A_110 {strides = array<i32>} : memref<3136xf32, #tpu.memory_space<vmem>>, vector<16xf32>,
      %scan3A_113 = arith.constant 2 : i32
      %scan3A_114 = arith.addi %scan3A_64, %scan3A_113 : i32
      %mul3A_115 = arith.constant 16 : i32
      %mul3A_116 = arith.muli %scan3A_114, %mul3A_115 : i32
      %get3A_117 = arith.index_cast %mul3A_116 : i32 to index
      %get3A_118 = tpu.vector_load %arg16[%get3A_117] {strides = array<i32>} : memref<3136xf32, #tpu.memory_space<vmem>>, vector<16xf32>,
      %gt3A_119 = arith.constant 0.000000e+00 : f32
      %gt3A_120 = vector.broadcast %gt3A_119 : f32 to vector<16xf32>
      %gt3A_121 = arith.cmpf ogt, %get3A_118, %gt3A_120 : vector<16xf32>
      %get3A_122 = arith.index_cast %mul3A_116 : i32 to index
      %get3A_123 = tpu.vector_load %arg14[%get3A_122] {strides = array<i32>} : memref<3136xf32, #tpu.memory_space<vmem>>, vector<16xf32>,
      %select_n3A_124 = arith.select %gt3A_121, %get3A_51, %get3A_123 : vector<16xi1>, vector<16xf32>
      %swap3A_125 = arith.index_cast %mul3A_116 : i32 to index
      %swap3A_126 = tpu.vector_load %arg14[%swap3A_125] {strides = array<i32>} : memref<3136xf32, #tpu.memory_space<vmem>>, vector<16xf32>,
      tpu.vector_store %arg14[%swap3A_125], %select_n3A_124 {strides = array<i32>} : memref<3136xf32, #tpu.memory_space<vmem>>, vector<16xf32>,
      %get3A_127 = arith.index_cast %mul3A_116 : i32 to index
      %get3A_128 = tpu.vector_load %arg15[%get3A_127] {strides = array<i32>} : memref<3136xf32, #tpu.memory_space<vmem>>, vector<16xf32>,
      %add3A_129 = arith.addf %get3A_128, %get3A_118 : vector<16xf32>
      %swap3A_130 = arith.index_cast %mul3A_116 : i32 to index
      %swap3A_131 = tpu.vector_load %arg15[%swap3A_130] {strides = array<i32>} : memref<3136xf32, #tpu.memory_space<vmem>>, vector<16xf32>,
      tpu.vector_store %arg15[%swap3A_130], %add3A_129 {strides = array<i32>} : memref<3136xf32, #tpu.memory_space<vmem>>, vector<16xf32>,
      %get3A_132 = arith.index_cast %mul3A_116 : i32 to index
      %get3A_133 = tpu.vector_load %arg17[%get3A_132] {strides = array<i32>} : memref<3136xf32, #tpu.memory_space<vmem>>, vector<16xf32>,
      %get3A_134 = arith.index_cast %mul3A_116 : i32 to index
      %get3A_135 = tpu.vector_load %arg18[%get3A_134] {strides = array<i32>} : memref<3136xf32, #tpu.memory_space<vmem>>, vector<16xf32>,
      %select_n3A_136 = arith.select %gt3A_121, %get3A_133, %get3A_135 : vector<16xi1>, vector<16xf32>
      %swap3A_137 = arith.index_cast %mul3A_116 : i32 to index
      %swap3A_138 = tpu.vector_load %arg18[%swap3A_137] {strides = array<i32>} : memref<3136xf32, #tpu.memory_space<vmem>>, vector<16xf32>,
      tpu.vector_store %arg18[%swap3A_137], %select_n3A_136 {strides = array<i32>} : memref<3136xf32, #tpu.memory_space<vmem>>, vector<16xf32>,
      %scan3A_139 = arith.constant 3 : i32
      %scan3A_140 = arith.addi %scan3A_64, %scan3A_139 : i32
      %mul3A_141 = arith.constant 16 : i32
      %mul3A_142 = arith.muli %scan3A_140, %mul3A_141 : i32
      %get3A_143 = arith.index_cast %mul3A_142 : i32 to index
      %get3A_144 = tpu.vector_load %arg16[%get3A_143] {strides = array<i32>} : memref<3136xf32, #tpu.memory_space<vmem>>, vector<16xf32>,
      %gt3A_145 = arith.constant 0.000000e+00 : f32
      %gt3A_146 = vector.broadcast %gt3A_145 : f32 to vector<16xf32>
      %gt3A_147 = arith.cmpf ogt, %get3A_144, %gt3A_146 : vector<16xf32>
      %get3A_148 = arith.index_cast %mul3A_142 : i32 to index
      %get3A_149 = tpu.vector_load %arg14[%get3A_148] {strides = array<i32>} : memref<3136xf32, #tpu.memory_space<vmem>>, vector<16xf32>,
      %select_n3A_150 = arith.select %gt3A_147, %get3A_51, %get3A_149 : vector<16xi1>, vector<16xf32>
      %swap3A_151 = arith.index_cast %mul3A_142 : i32 to index
      %swap3A_152 = tpu.vector_load %arg14[%swap3A_151] {strides = array<i32>} : memref<3136xf32, #tpu.memory_space<vmem>>, vector<16xf32>,
      tpu.vector_store %arg14[%swap3A_151], %select_n3A_150 {strides = array<i32>} : memref<3136xf32, #tpu.memory_space<vmem>>, vector<16xf32>,
      %get3A_153 = arith.index_cast %mul3A_142 : i32 to index
      %get3A_154 = tpu.vector_load %arg15[%get3A_153] {strides = array<i32>} : memref<3136xf32, #tpu.memory_space<vmem>>, vector<16xf32>,
      %add3A_155 = arith.addf %get3A_154, %get3A_144 : vector<16xf32>
      %swap3A_156 = arith.index_cast %mul3A_142 : i32 to index
      %swap3A_157 = tpu.vector_load %arg15[%swap3A_156] {strides = array<i32>} : memref<3136xf32, #tpu.memory_space<vmem>>, vector<16xf32>,
      tpu.vector_store %arg15[%swap3A_156], %add3A_155 {strides = array<i32>} : memref<3136xf32, #tpu.memory_space<vmem>>, vector<16xf32>,
      %get3A_158 = arith.index_cast %mul3A_142 : i32 to index
      %get3A_159 = tpu.vector_load %arg17[%get3A_158] {strides = array<i32>} : memref<3136xf32, #tpu.memory_space<vmem>>, vector<16xf32>,
      %get3A_160 = arith.index_cast %mul3A_142 : i32 to index
      %get3A_161 = tpu.vector_load %arg18[%get3A_160] {strides = array<i32>} : memref<3136xf32, #tpu.memory_space<vmem>>, vector<16xf32>,
      %select_n3A_162 = arith.select %gt3A_147, %get3A_159, %get3A_161 : vector<16xi1>, vector<16xf32>
      %swap3A_163 = arith.index_cast %mul3A_142 : i32 to index
      %swap3A_164 = tpu.vector_load %arg18[%swap3A_163] {strides = array<i32>} : memref<3136xf32, #tpu.memory_space<vmem>>, vector<16xf32>,
      tpu.vector_store %arg18[%swap3A_163], %select_n3A_162 {strides = array<i32>} : memref<3136xf32, #tpu.memory_space<vmem>>, vector<16xf32>,
    }
    %scan3A_57 = arith.constant 196 : i32
    %lt3A = arith.constant 31 : i32
    %lt3A_58 = arith.cmpi slt, %add3A, %lt3A : i32
    %convert_element_type3A = arith.extui %lt3A_58 : i1 to i32
    %cond3A = arith.constant 0 : i32
    %cond3A_59 = arith.cmpi ne, %convert_element_type3A, %cond3A : i32
    scf.if %cond3A_59 {
      %dma_start3A_64 = tpu.memref_slice %arg8[%mul3A_2] : memref<100352xf32, #tpu.memory_space<hbm>> -> memref<3136xf32, #tpu.memory_space<hbm>>
      %dma_start3A_65 = tpu.memref_slice %arg8[%mul3A_2] : memref<100352xf32, #tpu.memory_space<hbm>> -> memref<3136xf32, #tpu.memory_space<hbm>>
      tpu.enqueue_dma source(%arg14 : memref<3136xf32, #tpu.memory_space<vmem>>) target(%dma_start3A_65 : memref<3136xf32, #tpu.memory_space<hbm>>) target_semaphore(%arg21 : memref<!tpu.dma_semaphore, #tpu.memory_space<semaphore_mem>>)
      %dma_start3A_66 = tpu.memref_slice %arg9[%mul3A_2] : memref<100352xf32, #tpu.memory_space<hbm>> -> memref<3136xf32, #tpu.memory_space<hbm>>
      %dma_start3A_67 = tpu.memref_slice %arg9[%mul3A_2] : memref<100352xf32, #tpu.memory_space<hbm>> -> memref<3136xf32, #tpu.memory_space<hbm>>
      tpu.enqueue_dma source(%arg15 : memref<3136xf32, #tpu.memory_space<vmem>>) target(%dma_start3A_67 : memref<3136xf32, #tpu.memory_space<hbm>>) target_semaphore(%arg21 : memref<!tpu.dma_semaphore, #tpu.memory_space<semaphore_mem>>)
      %dma_start3A_68 = tpu.memref_slice %arg10[%mul3A_2] : memref<100352xf32, #tpu.memory_space<hbm>> -> memref<3136xf32, #tpu.memory_space<hbm>>
      %dma_start3A_69 = tpu.memref_slice %arg10[%mul3A_2] : memref<100352xf32, #tpu.memory_space<hbm>> -> memref<3136xf32, #tpu.memory_space<hbm>>
      tpu.enqueue_dma source(%arg18 : memref<3136xf32, #tpu.memory_space<vmem>>) target(%dma_start3A_69 : memref<3136xf32, #tpu.memory_space<hbm>>) target_semaphore(%arg21 : memref<!tpu.dma_semaphore, #tpu.memory_space<semaphore_mem>>)
      %dma_wait3A_70 = tpu.memref_slice %arg8[%mul3A_2] : memref<100352xf32, #tpu.memory_space<hbm>> -> memref<3136xf32, #tpu.memory_space<hbm>>
      %dma_wait3A_71 = tpu.memref_slice %arg8[%mul3A_2] : memref<100352xf32, #tpu.memory_space<hbm>> -> memref<3136xf32, #tpu.memory_space<hbm>>
      tpu.wait_dma2 semaphore(%arg21 : memref<!tpu.dma_semaphore, #tpu.memory_space<semaphore_mem>>) src(%arg14 : memref<3136xf32, #tpu.memory_space<vmem>>) dst(%dma_wait3A_71 : memref<3136xf32, #tpu.memory_space<hbm>>)
      %dma_wait3A_72 = tpu.memref_slice %arg9[%mul3A_2] : memref<100352xf32, #tpu.memory_space<hbm>> -> memref<3136xf32, #tpu.memory_space<hbm>>
      %dma_wait3A_73 = tpu.memref_slice %arg9[%mul3A_2] : memref<100352xf32, #tpu.memory_space<hbm>> -> memref<3136xf32, #tpu.memory_space<hbm>>
      tpu.wait_dma2 semaphore(%arg21 : memref<!tpu.dma_semaphore, #tpu.memory_space<semaphore_mem>>) src(%arg15 : memref<3136xf32, #tpu.memory_space<vmem>>) dst(%dma_wait3A_73 : memref<3136xf32, #tpu.memory_space<hbm>>)
      %dma_wait3A_74 = tpu.memref_slice %arg10[%mul3A_2] : memref<100352xf32, #tpu.memory_space<hbm>> -> memref<3136xf32, #tpu.memory_space<hbm>>
      %dma_wait3A_75 = tpu.memref_slice %arg10[%mul3A_2] : memref<100352xf32, #tpu.memory_space<hbm>> -> memref<3136xf32, #tpu.memory_space<hbm>>
      tpu.wait_dma2 semaphore(%arg21 : memref<!tpu.dma_semaphore, #tpu.memory_space<semaphore_mem>>) src(%arg18 : memref<3136xf32, #tpu.memory_space<vmem>>) dst(%dma_wait3A_75 : memref<3136xf32, #tpu.memory_space<hbm>>)
    } else {
    }
    %eq3A = arith.constant 31 : i32
    %eq3A_60 = arith.cmpi eq, %add3A, %eq3A : i32
    %convert_element_type3A_61 = arith.extui %eq3A_60 : i1 to i32
    %cond3A_62 = arith.constant 0 : i32
    %cond3A_63 = arith.cmpi ne, %convert_element_type3A_61, %cond3A_62 : i32
    scf.if %cond3A_63 {
      %dma_start3A_64 = arith.constant 352 : i32
      %dma_start3A_65 = tpu.memref_slice %arg14[%dma_start3A_64] : memref<3136xf32, #tpu.memory_space<vmem>> -> memref<2784xf32, #tpu.memory_space<vmem>>
      %dma_start3A_66 = arith.constant 97216 : i32
      %dma_start3A_67 = tpu.memref_slice %arg8[%dma_start3A_66] : memref<100352xf32, #tpu.memory_space<hbm>> -> memref<2784xf32, #tpu.memory_space<hbm>>
      %dma_start3A_68 = arith.constant 97216 : i32
      %dma_start3A_69 = tpu.memref_slice %arg8[%dma_start3A_68] : memref<100352xf32, #tpu.memory_space<hbm>> -> memref<2784xf32, #tpu.memory_space<hbm>>
      %dma_start3A_70 = arith.constant 352 : i32
      %dma_start3A_71 = tpu.memref_slice %arg14[%dma_start3A_70] : memref<3136xf32, #tpu.memory_space<vmem>> -> memref<2784xf32, #tpu.memory_space<vmem>>
      tpu.enqueue_dma source(%dma_start3A_71 : memref<2784xf32, #tpu.memory_space<vmem>>) target(%dma_start3A_69 : memref<2784xf32, #tpu.memory_space<hbm>>) target_semaphore(%arg21 : memref<!tpu.dma_semaphore, #tpu.memory_space<semaphore_mem>>)
      %dma_start3A_72 = arith.constant 352 : i32
      %dma_start3A_73 = tpu.memref_slice %arg15[%dma_start3A_72] : memref<3136xf32, #tpu.memory_space<vmem>> -> memref<2784xf32, #tpu.memory_space<vmem>>
      %dma_start3A_74 = arith.constant 97216 : i32
      %dma_start3A_75 = tpu.memref_slice %arg9[%dma_start3A_74] : memref<100352xf32, #tpu.memory_space<hbm>> -> memref<2784xf32, #tpu.memory_space<hbm>>
      %dma_start3A_76 = arith.constant 97216 : i32
      %dma_start3A_77 = tpu.memref_slice %arg9[%dma_start3A_76] : memref<100352xf32, #tpu.memory_space<hbm>> -> memref<2784xf32, #tpu.memory_space<hbm>>
      %dma_start3A_78 = arith.constant 352 : i32
      %dma_start3A_79 = tpu.memref_slice %arg15[%dma_start3A_78] : memref<3136xf32, #tpu.memory_space<vmem>> -> memref<2784xf32, #tpu.memory_space<vmem>>
      tpu.enqueue_dma source(%dma_start3A_79 : memref<2784xf32, #tpu.memory_space<vmem>>) target(%dma_start3A_77 : memref<2784xf32, #tpu.memory_space<hbm>>) target_semaphore(%arg21 : memref<!tpu.dma_semaphore, #tpu.memory_space<semaphore_mem>>)
      %dma_start3A_80 = arith.constant 352 : i32
      %dma_start3A_81 = tpu.memref_slice %arg18[%dma_start3A_80] : memref<3136xf32, #tpu.memory_space<vmem>> -> memref<2784xf32, #tpu.memory_space<vmem>>
      %dma_start3A_82 = arith.constant 97216 : i32
      %dma_start3A_83 = tpu.memref_slice %arg10[%dma_start3A_82] : memref<100352xf32, #tpu.memory_space<hbm>> -> memref<2784xf32, #tpu.memory_space<hbm>>
      %dma_start3A_84 = arith.constant 97216 : i32
      %dma_start3A_85 = tpu.memref_slice %arg10[%dma_start3A_84] : memref<100352xf32, #tpu.memory_space<hbm>> -> memref<2784xf32, #tpu.memory_space<hbm>>
      %dma_start3A_86 = arith.constant 352 : i32
      %dma_start3A_87 = tpu.memref_slice %arg18[%dma_start3A_86] : memref<3136xf32, #tpu.memory_space<vmem>> -> memref<2784xf32, #tpu.memory_space<vmem>>
      tpu.enqueue_dma source(%dma_start3A_87 : memref<2784xf32, #tpu.memory_space<vmem>>) target(%dma_start3A_85 : memref<2784xf32, #tpu.memory_space<hbm>>) target_semaphore(%arg21 : memref<!tpu.dma_semaphore, #tpu.memory_space<semaphore_mem>>)
      %dma_wait3A_88 = arith.constant 352 : i32
      %dma_wait3A_89 = tpu.memref_slice %arg14[%dma_wait3A_88] : memref<3136xf32, #tpu.memory_space<vmem>> -> memref<2784xf32, #tpu.memory_space<vmem>>
      %dma_wait3A_90 = arith.constant 97216 : i32
      %dma_wait3A_91 = tpu.memref_slice %arg8[%dma_wait3A_90] : memref<100352xf32, #tpu.memory_space<hbm>> -> memref<2784xf32, #tpu.memory_space<hbm>>
      %dma_wait3A_92 = arith.constant 97216 : i32
      %dma_wait3A_93 = tpu.memref_slice %arg8[%dma_wait3A_92] : memref<100352xf32, #tpu.memory_space<hbm>> -> memref<2784xf32, #tpu.memory_space<hbm>>
      %dma_wait3A_94 = arith.constant 352 : i32
      %dma_wait3A_95 = tpu.memref_slice %arg14[%dma_wait3A_94] : memref<3136xf32, #tpu.memory_space<vmem>> -> memref<2784xf32, #tpu.memory_space<vmem>>
      tpu.wait_dma2 semaphore(%arg21 : memref<!tpu.dma_semaphore, #tpu.memory_space<semaphore_mem>>) src(%dma_wait3A_95 : memref<2784xf32, #tpu.memory_space<vmem>>) dst(%dma_wait3A_93 : memref<2784xf32, #tpu.memory_space<hbm>>)
      %dma_wait3A_96 = arith.constant 352 : i32
      %dma_wait3A_97 = tpu.memref_slice %arg15[%dma_wait3A_96] : memref<3136xf32, #tpu.memory_space<vmem>> -> memref<2784xf32, #tpu.memory_space<vmem>>
      %dma_wait3A_98 = arith.constant 97216 : i32
      %dma_wait3A_99 = tpu.memref_slice %arg9[%dma_wait3A_98] : memref<100352xf32, #tpu.memory_space<hbm>> -> memref<2784xf32, #tpu.memory_space<hbm>>
      %dma_wait3A_100 = arith.constant 97216 : i32
      %dma_wait3A_101 = tpu.memref_slice %arg9[%dma_wait3A_100] : memref<100352xf32, #tpu.memory_space<hbm>> -> memref<2784xf32, #tpu.memory_space<hbm>>
      %dma_wait3A_102 = arith.constant 352 : i32
      %dma_wait3A_103 = tpu.memref_slice %arg15[%dma_wait3A_102] : memref<3136xf32, #tpu.memory_space<vmem>> -> memref<2784xf32, #tpu.memory_space<vmem>>
      tpu.wait_dma2 semaphore(%arg21 : memref<!tpu.dma_semaphore, #tpu.memory_space<semaphore_mem>>) src(%dma_wait3A_103 : memref<2784xf32, #tpu.memory_space<vmem>>) dst(%dma_wait3A_101 : memref<2784xf32, #tpu.memory_space<hbm>>)
      %dma_wait3A_104 = arith.constant 352 : i32
      %dma_wait3A_105 = tpu.memref_slice %arg18[%dma_wait3A_104] : memref<3136xf32, #tpu.memory_space<vmem>> -> memref<2784xf32, #tpu.memory_space<vmem>>
      %dma_wait3A_106 = arith.constant 97216 : i32
      %dma_wait3A_107 = tpu.memref_slice %arg10[%dma_wait3A_106] : memref<100352xf32, #tpu.memory_space<hbm>> -> memref<2784xf32, #tpu.memory_space<hbm>>
      %dma_wait3A_108 = arith.constant 97216 : i32
      %dma_wait3A_109 = tpu.memref_slice %arg10[%dma_wait3A_108] : memref<100352xf32, #tpu.memory_space<hbm>> -> memref<2784xf32, #tpu.memory_space<hbm>>
      %dma_wait3A_110 = arith.constant 352 : i32
      %dma_wait3A_111 = tpu.memref_slice %arg18[%dma_wait3A_110] : memref<3136xf32, #tpu.memory_space<vmem>> -> memref<2784xf32, #tpu.memory_space<vmem>>
      tpu.wait_dma2 semaphore(%arg21 : memref<!tpu.dma_semaphore, #tpu.memory_space<semaphore_mem>>) src(%dma_wait3A_111 : memref<2784xf32, #tpu.memory_space<vmem>>) dst(%dma_wait3A_109 : memref<2784xf32, #tpu.memory_space<hbm>>)
    } else {
    }
    return
  }
}

module attributes {stable_mosaic.version = 14 : i64} {
  func.func @_mean_body(%arg0: i32, %arg1: memref<1x4096x128xf32, #tpu.memory_space<vmem>>, %arg2: memref<1x1x4096xf32, #tpu.memory_space<vmem>>) attributes {dimension_semantics = [#tpu.dimension_semantics<arbitrary>], iteration_bounds = array<i64: 4>, scalar_prefetch = 0 : i64, scratch_operands = 0 : i64, tpu.core_type = #tpu.core_type<tc>, window_params = [{transform_indices = @transform_0, window_bounds = array<i64: 1, 4096, 128>}, {transform_indices = @transform_1, window_bounds = array<i64: 1, 1, 4096>}]} {
    %get3A = arith.constant 0 : index
    %get3A_0 = arith.constant 0 : index
    %get3A_1 = arith.constant 0 : index
    %get3A_2 = vector.load %arg1[%get3A, %get3A_0, %get3A_1] : memref<1x4096x128xf32, #tpu.memory_space<vmem>>, vector<1x4096x128xf32>
    %get3A_3 = vector.shape_cast %get3A_2 : vector<1x4096x128xf32> to vector<4096x128xf32>
    %reduce_sum3A = arith.constant dense<0.000000e+00> : vector<4096xf32>
    %reduce_sum3A_4 = vector.multi_reduction <add>, %get3A_3, %reduce_sum3A [1] : vector<4096x128xf32> to vector<4096xf32>
    %mul3A = arith.constant 7.812500e-03 : f32
    %mul3A_5 = vector.broadcast %mul3A : f32 to vector<4096xf32>
    %mul3A_6 = arith.mulf %reduce_sum3A_4, %mul3A_5 : vector<4096xf32>
    %swap3A = arith.constant 0 : index
    %swap3A_7 = arith.constant 0 : index
    %swap3A_8 = arith.constant 0 : index
    %swap3A_9 = vector.load %arg2[%swap3A, %swap3A_7, %swap3A_8] : memref<1x1x4096xf32, #tpu.memory_space<vmem>>, vector<1x1x4096xf32>
    %swap3A_10 = vector.shape_cast %swap3A_9 : vector<1x1x4096xf32> to vector<4096xf32>
    %swap3A_11 = vector.shape_cast %mul3A_6 : vector<4096xf32> to vector<1x1x4096xf32>
    tpu.vector_store %arg2[%swap3A, %swap3A_7, %swap3A_8], %swap3A_11 {strides = array<i32>} : memref<1x1x4096xf32, #tpu.memory_space<vmem>>, vector<1x1x4096xf32>,
    return
  }
  func.func @transform_0(%arg0: i32) -> (i32, i32, i32) {
    %c0_i32 = arith.constant 0 : i32
    %c0_i32_0 = arith.constant 0 : i32
    %c0_i32_1 = arith.constant 0 : i32
    return %arg0, %c0_i32, %c0_i32_0 : i32, i32, i32
  }
  func.func @transform_1(%arg0: i32) -> (i32, i32, i32) {
    %c0_i32 = arith.constant 0 : i32
    %c0_i32_0 = arith.constant 0 : i32
    %c0_i32_1 = arith.constant 0 : i32
    return %arg0, %c0_i32, %c0_i32_0 : i32, i32, i32
  }
}

module attributes {stable_mosaic.version = 14 : i64} {
  func.func @body(%arg0: memref<1x1xf32, #tpu.memory_space<smem>>, %arg1: memref<784x128xf32, #tpu.memory_space<vmem>>, %arg2: memref<784x128xf32, #tpu.memory_space<vmem>>, %arg3: memref<784x128xf32, #tpu.memory_space<vmem>>, %arg4: memref<784x128xf32, #tpu.memory_space<vmem>>, %arg5: memref<1024x128xi32, #tpu.memory_space<vmem>>) attributes {dimension_semantics = [], scalar_prefetch = 0 : i64, scratch_operands = 0 : i64, tpu.core_type = #tpu.core_type<tc>} {
    %get3A = arith.constant 0 : index
    %get3A_0 = arith.constant 0 : index
    %get3A_1 = vector.load %arg1[%get3A, %get3A_0] : memref<784x128xf32, #tpu.memory_space<vmem>>, vector<784x128xf32>
    %get3A_2 = arith.constant 0 : index
    %get3A_3 = arith.constant 0 : index
    %get3A_4 = vector.load %arg2[%get3A_2, %get3A_3] : memref<784x128xf32, #tpu.memory_space<vmem>>, vector<784x128xf32>
    %get3A_5 = arith.constant 0 : index
    %get3A_6 = arith.constant 0 : index
    %get3A_7 = vector.load %arg3[%get3A_5, %get3A_6] : memref<784x128xf32, #tpu.memory_space<vmem>>, vector<784x128xf32>
    %iota3A = tpu.iota {dimensions = array<i32: 0>} : vector<784x128xi32>
    %iota3A_8 = tpu.iota {dimensions = array<i32: 1>} : vector<784x128xi32>
    %mul3A = arith.constant 128 : i32
    %mul3A_9 = vector.broadcast %mul3A : i32 to vector<784x128xi32>
    %mul3A_10 = arith.muli %iota3A, %mul3A_9 : vector<784x128xi32>
    %add3A = arith.addi %mul3A_10, %iota3A_8 : vector<784x128xi32>
    %lt3A = arith.constant 100000 : i32
    %lt3A_11 = vector.broadcast %lt3A : i32 to vector<784x128xi32>
    %lt3A_12 = arith.cmpi slt, %add3A, %lt3A_11 : vector<784x128xi32>
    %jit3A = arith.constant 0.000000e+00 : f32
    %broadcast_in_dim3A = vector.broadcast %jit3A : f32 to vector<784x128xf32>
    %select_n3A = arith.select %lt3A_12, %get3A_4, %broadcast_in_dim3A : vector<784x128xi1>, vector<784x128xf32>
    %reduce_max3A = vector.shape_cast %select_n3A : vector<784x128xf32> to vector<1x784x128xf32>
    %reduce_max3A_13 = arith.constant dense<0xFF800000> : vector<1xf32>
    %reduce_max3A_14 = vector.multi_reduction <maximumf>, %reduce_max3A, %reduce_max3A_13 [1, 2] : vector<1x784x128xf32> to vector<1xf32>
    %reduce_max3A_15 = vector.shape_cast %reduce_max3A_14 : vector<1xf32> to vector<1x1x1xf32>
    %reduce_max3A_16 = vector.extract %reduce_max3A_15[0, 0, 0] : f32 from vector<1x1x1xf32>
    %jit3A_17 = arith.constant 0.000000e+00 : f32
    %broadcast_in_dim3A_18 = vector.broadcast %jit3A_17 : f32 to vector<784x128xf32>
    %select_n3A_19 = arith.select %lt3A_12, %get3A_7, %broadcast_in_dim3A_18 : vector<784x128xi1>, vector<784x128xf32>
    %reduce_max3A_20 = vector.shape_cast %select_n3A_19 : vector<784x128xf32> to vector<1x784x128xf32>
    %reduce_max3A_21 = arith.constant dense<0xFF800000> : vector<1xf32>
    %reduce_max3A_22 = vector.multi_reduction <maximumf>, %reduce_max3A_20, %reduce_max3A_21 [1, 2] : vector<1x784x128xf32> to vector<1xf32>
    %reduce_max3A_23 = vector.shape_cast %reduce_max3A_22 : vector<1xf32> to vector<1x1x1xf32>
    %reduce_max3A_24 = vector.extract %reduce_max3A_23[0, 0, 0] : f32 from vector<1x1x1xf32>
    %get3A_25 = arith.constant 0 : index
    %get3A_26 = arith.constant 0 : index
    %get3A_27 = memref.load %arg0[%get3A_25, %get3A_26] : memref<1x1xf32, #tpu.memory_space<smem>>
    %div3A = vector.broadcast %get3A_27 : f32 to vector<784x128xf32>
    %div3A_28 = arith.divf %get3A_1, %div3A : vector<784x128xf32>
    %add3A_29 = arith.constant 9.99999993E-9 : f32
    %add3A_30 = arith.addf %reduce_max3A_16, %add3A_29 : f32
    %div3A_31 = vector.broadcast %add3A_30 : f32 to vector<784x128xf32>
    %div3A_32 = arith.divf %get3A_4, %div3A_31 : vector<784x128xf32>
    %add3A_33 = arith.constant 9.99999993E-9 : f32
    %add3A_34 = arith.addf %reduce_max3A_24, %add3A_33 : f32
    %div3A_35 = vector.broadcast %add3A_34 : f32 to vector<784x128xf32>
    %div3A_36 = arith.divf %get3A_7, %div3A_35 : vector<784x128xf32>
    %mul3A_37 = arith.constant 3.000000e-01 : f32
    %mul3A_38 = vector.broadcast %mul3A_37 : f32 to vector<784x128xf32>
    %mul3A_39 = arith.mulf %mul3A_38, %div3A_28 : vector<784x128xf32>
    %mul3A_40 = arith.constant 3.000000e-01 : f32
    %mul3A_41 = vector.broadcast %mul3A_40 : f32 to vector<784x128xf32>
    %mul3A_42 = arith.mulf %mul3A_41, %div3A_32 : vector<784x128xf32>
    %add3A_43 = arith.addf %mul3A_39, %mul3A_42 : vector<784x128xf32>
    %mul3A_44 = arith.constant 4.000000e-01 : f32
    %mul3A_45 = vector.broadcast %mul3A_44 : f32 to vector<784x128xf32>
    %mul3A_46 = arith.mulf %mul3A_45, %div3A_36 : vector<784x128xf32>
    %add3A_47 = arith.addf %add3A_43, %mul3A_46 : vector<784x128xf32>
    %jit3A_48 = arith.constant 0x7F800000 : f32
    %broadcast_in_dim3A_49 = vector.broadcast %jit3A_48 : f32 to vector<784x128xf32>
    %select_n3A_50 = arith.select %lt3A_12, %add3A_47, %broadcast_in_dim3A_49 : vector<784x128xi1>, vector<784x128xf32>
    %swap3A = arith.constant 0 : index
    %swap3A_51 = arith.constant 0 : index
    %swap3A_52 = vector.load %arg4[%swap3A, %swap3A_51] : memref<784x128xf32, #tpu.memory_space<vmem>>, vector<784x128xf32>
    tpu.vector_store %arg4[%swap3A, %swap3A_51], %select_n3A_50 {strides = array<i32>} : memref<784x128xf32, #tpu.memory_space<vmem>>, vector<784x128xf32>,
    %bitcast_convert_type3A = tpu.bitcast %select_n3A_50 : vector<784x128xf32> -> vector<784x128xi32>
    %scan3A = arith.constant -1 : i32
    %scan3A_53 = arith.constant 1065353216 : i32
    %scan3A_54 = arith.constant 0 : i32
    %scan3A_55 = arith.constant 100000 : i32
    %scan3A_56 = arith.constant 0 : i32
    %scan3A_57 = arith.constant 30 : i32
    %scan3A_58 = arith.addi %scan3A_56, %scan3A_57 : i32
    %scan3A_59 = arith.constant 1 : i32
    %scan3A_60:4 = scf.for %scan3A_80 = %scan3A_56 to %scan3A_58 step %scan3A_59 iter_args(%scan3A_81 = %scan3A, %scan3A_82 = %scan3A_53, %scan3A_83 = %scan3A_54, %scan3A_84 = %scan3A_55) -> (i32, i32, i32, i32)  : i32 {
      %add3A_85 = arith.addi %scan3A_81, %scan3A_82 : i32
      %shift_right_arithmetic3A = arith.constant 1 : i32
      %shift_right_arithmetic3A_86 = arith.shrsi %add3A_85, %shift_right_arithmetic3A : i32
      %le3A_87 = vector.broadcast %shift_right_arithmetic3A_86 : i32 to vector<784x128xi32>
      %le3A_88 = arith.cmpi sle, %bitcast_convert_type3A, %le3A_87 : vector<784x128xi32>
      %convert_element_type3A_89 = arith.extui %le3A_88 : vector<784x128xi1> to vector<784x128xi32>
      %reduce_sum3A = vector.shape_cast %convert_element_type3A_89 : vector<784x128xi32> to vector<1x784x128xi32>
      %reduce_sum3A_90 = arith.constant dense<0> : vector<1xi32>
      %reduce_sum3A_91 = vector.multi_reduction <add>, %reduce_sum3A, %reduce_sum3A_90 [1, 2] : vector<1x784x128xi32> to vector<1xi32>
      %reduce_sum3A_92 = vector.shape_cast %reduce_sum3A_91 : vector<1xi32> to vector<1x1x1xi32>
      %reduce_sum3A_93 = vector.extract %reduce_sum3A_92[0, 0, 0] : i32 from vector<1x1x1xi32>
      %ge3A = arith.constant 31072 : i32
      %ge3A_94 = arith.cmpi sge, %reduce_sum3A_93, %ge3A : i32
      %select_n3A_95 = arith.select %ge3A_94, %scan3A_81, %shift_right_arithmetic3A_86 : i32
      %select_n3A_96 = arith.select %ge3A_94, %shift_right_arithmetic3A_86, %scan3A_82 : i32
      %select_n3A_97 = arith.select %ge3A_94, %scan3A_83, %reduce_sum3A_93 : i32
      %select_n3A_98 = arith.select %ge3A_94, %reduce_sum3A_93, %scan3A_84 : i32
      scf.yield %select_n3A_95, %select_n3A_96, %select_n3A_97, %select_n3A_98 : i32, i32, i32, i32
    }
    %sub3A = arith.constant 31072 : i32
    %sub3A_61 = arith.subi %sub3A, %scan3A_60#2 : i32
    %eq3A = vector.broadcast %scan3A_60#1 : i32 to vector<784x128xi32>
    %eq3A_62 = arith.cmpi eq, %bitcast_convert_type3A, %eq3A : vector<784x128xi32>
    %and3A = arith.andi %eq3A_62, %lt3A_12 : vector<784x128xi1>
    %sub3A_63 = arith.subi %scan3A_60#3, %scan3A_60#2 : i32
    %eq3A_64 = arith.cmpi eq, %sub3A_63, %sub3A_61 : i32
    %convert_element_type3A = arith.extui %eq3A_64 : i1 to i32
    %cond3A = arith.constant 0 : i32
    %cond3A_65 = arith.cmpi ne, %convert_element_type3A, %cond3A : i32
    %cond3A_66 = scf.if %cond3A_65 -> (i32) {
      %cond3A_80 = arith.constant 100352 : i32
      scf.yield %cond3A_80 : i32
    } else {
      %scan3A_80 = arith.constant -1 : i32
      %scan3A_81 = arith.constant 100352 : i32
      %scan3A_82 = arith.constant 0 : i32
      %scan3A_83 = arith.constant 18 : i32
      %scan3A_84 = arith.addi %scan3A_82, %scan3A_83 : i32
      %scan3A_85 = arith.constant 1 : i32
      %scan3A_86:2 = scf.for %scan3A_87 = %scan3A_82 to %scan3A_84 step %scan3A_85 iter_args(%scan3A_88 = %scan3A_80, %scan3A_89 = %scan3A_81) -> (i32, i32)  : i32 {
        %add3A_90 = arith.addi %scan3A_88, %scan3A_89 : i32
        %shift_right_arithmetic3A = arith.constant 1 : i32
        %shift_right_arithmetic3A_91 = arith.shrsi %add3A_90, %shift_right_arithmetic3A : i32
        %le3A_92 = vector.broadcast %shift_right_arithmetic3A_91 : i32 to vector<784x128xi32>
        %le3A_93 = arith.cmpi sle, %add3A, %le3A_92 : vector<784x128xi32>
        %and3A_94 = arith.andi %and3A, %le3A_93 : vector<784x128xi1>
        %convert_element_type3A_95 = arith.extui %and3A_94 : vector<784x128xi1> to vector<784x128xi32>
        %reduce_sum3A = vector.shape_cast %convert_element_type3A_95 : vector<784x128xi32> to vector<1x784x128xi32>
        %reduce_sum3A_96 = arith.constant dense<0> : vector<1xi32>
        %reduce_sum3A_97 = vector.multi_reduction <add>, %reduce_sum3A, %reduce_sum3A_96 [1, 2] : vector<1x784x128xi32> to vector<1xi32>
        %reduce_sum3A_98 = vector.shape_cast %reduce_sum3A_97 : vector<1xi32> to vector<1x1x1xi32>
        %reduce_sum3A_99 = vector.extract %reduce_sum3A_98[0, 0, 0] : i32 from vector<1x1x1xi32>
        %ge3A = arith.cmpi sge, %reduce_sum3A_99, %sub3A_61 : i32
        %select_n3A_100 = arith.select %ge3A, %scan3A_88, %shift_right_arithmetic3A_91 : i32
        %select_n3A_101 = arith.select %ge3A, %shift_right_arithmetic3A_91, %scan3A_89 : i32
        scf.yield %select_n3A_100, %select_n3A_101 : i32, i32
      }
      scf.yield %scan3A_86#1 : i32
    }
    %lt3A_67 = vector.broadcast %scan3A_60#1 : i32 to vector<784x128xi32>
    %lt3A_68 = arith.cmpi slt, %bitcast_convert_type3A, %lt3A_67 : vector<784x128xi32>
    %le3A = vector.broadcast %cond3A_66 : i32 to vector<784x128xi32>
    %le3A_69 = arith.cmpi sle, %add3A, %le3A : vector<784x128xi32>
    %and3A_70 = arith.andi %and3A, %le3A_69 : vector<784x128xi1>
    %or3A = arith.ori %lt3A_68, %and3A_70 : vector<784x128xi1>
    %convert_element_type3A_71 = arith.extui %or3A : vector<784x128xi1> to vector<784x128xi32>
    %swap3A_72 = arith.constant 0 : index
    %swap3A_73 = arith.constant 0 : index
    %swap3A_74 = vector.load %arg5[%swap3A_72, %swap3A_73] : memref<1024x128xi32, #tpu.memory_space<vmem>>, vector<784x128xi32>
    tpu.vector_store %arg5[%swap3A_72, %swap3A_73], %convert_element_type3A_71 {strides = array<i32>} : memref<1024x128xi32, #tpu.memory_space<vmem>>, vector<784x128xi32>,
    %broadcast_in_dim3A_75 = arith.constant 0 : i32
    %broadcast_in_dim3A_76 = vector.broadcast %broadcast_in_dim3A_75 : i32 to vector<240x128xi32>
    %swap3A_77 = arith.constant 784 : index
    %swap3A_78 = arith.constant 0 : index
    %swap3A_79 = vector.load %arg5[%swap3A_77, %swap3A_78] : memref<1024x128xi32, #tpu.memory_space<vmem>>, vector<240x128xi32>
    tpu.vector_store %arg5[%swap3A_77, %swap3A_78], %broadcast_in_dim3A_76 {strides = array<i32>} : memref<1024x128xi32, #tpu.memory_space<vmem>>, vector<240x128xi32>,
    return
  }
}

</mosaic_0001>

<sc_bundles>
// kernel: kernel.5.cloned.1.call-start
scs
__scs_entry_jumppad:
0x0: {  	(pc) =	sbr.rel $0x88, $3  }
0x1: {  	(tag) =	ssettag $0x0;
	lr =	simm.s32 $0x1  }
0x2: {  	[smem:$0x3F9B] =	sst lr;
	_ =	strace $0xD0000000  }
0x3: {  	_ = 	snop  }
0x4: {  	_ = 	snop  }
0x5: {  	_ = 	snop  }
0x6: {  	_ = 	snop  }
0x7: {  	_ = 	snop  }
__scs_overlays_trampoline_lowered:
0x8: {  	[smem:$0x3FAA] =	sst s0  }
0x9: {  	[smem:$0x3FAB] =	sst s1  }
0xa: {  	[smem:$0x3FAC] =	sst s2  }
0xb: {  	[smem:$0x3FAD] =	sst s3  }
0xc: {  	[smem:$0x3FAE] =	sst s4  }
0xd: {  	[smem:$0x3FAF] =	sst s5  }
0xe: {  	[smem:$0x3FB0] =	sst s6  }
0xf: {  	[smem:$0x3FB1] =	sst s7  }
0x10: {  	[smem:$0x3FB2] =	sst s8  }
0x11: {  	[smem:$0x3FB3] =	sst s9;
	s0 =	simm.s32 @!p0 $0x0  }
0x12: {  	s1 =	sld [smem:$0x3F99];
	s0 =	simm.s32 @p0 $0x1  }
0x13: {  	[smem:$0x3FB4] =	sst s0;
	s0 =	simm.s32 @!p1 $0x0  }
0x14: {  	s2 =	sld [smem:$0x3F98];
	s0 =	simm.s32 @p1 $0x1  }
0x15: {  	[smem:$0x3FB5] =	sst s0;
	s0 =	simm.s32 @!p2 $0x0  }
0x16: {  	s3 =	sld [smem:$0x3FDB];
	s0 =	simm.s32 @p2 $0x1  }
0x17: {  	s4 =	simm.s32 $0x1BF5;
	[smem:$0x3FB7] =	sst s0  }
0x18: {  	s0 =	sld [smem:$0x3F9A];
	_ =	swait.ge [sflag:s4], $0x0  }
0x19: {  	s7 =	sld [smem:$0x3F9B]  }
0x1a: {  	s8 =	sadd.s32 $0xFFFFE003, lr  }
0x1b: {  	s9 =	sadd.s32 $0xFFFFFEF7, lr;
	s5 =	simm.s32 $0xFFFFFFFF;
	p2 =	slt.u32 s8, $0xFFFFF086  }
0x1c: {  	p1 =	slt.u32 s9, $0xF7A;
	s5 =	simm.s32 @!p2 $0x0  }
0x1d: {  	s5 =	simm.s32 @p1 $0x1;
	p0 =	seq.s32 s7, s2  }
0x1e: {  	s7 =	smul.u32 @!p0 $0xF7A, s2;
	p2 =	seq.s32 @!p0 s5, $0x0  }
0x1f: {  	s9 =	smul.u32 $0xF7A, s1;
	s8 =	simm.s32 @!p0 $0x1BF5;
	p2 =	por !p2, p0  }
0x20: {  	[sflag:s8] =	ssyncset.s32 @!p0 $0xFFFFF086;
	s6 =	sadd.s32 @!p0 s3, s7;
	s7 =	simm.s32 @!p0 $0x108  }
0x21: {  	s3 =	sadd.s32 s3, s9;
	s6 =	sadd.s32 @!p0 $0x88, s6;
	s7 =	simm.s32 @p2 $0x1082  }
0x22: {  	[simem:s7], [sflag:s8] =	dma.local @!p0 [hbm:s6], $0xF7A  }
0x23: {  	s9 =	sor.u32 $0xD0000000, s2;
	s6 =	simm.s32 $0x108;
	_ =	swait.ge @!p0 [sflag:s8], $0x0  }
0x24: {  	s3 =	sadd.s32 $0x88, s3;
	s6 =	simm.s32 @!p1 $0x1082;
	[sflag:s4] =	ssyncset.s32 $0xFFFFF086  }
0x25: {  	[simem:s6], [sflag:s4] =	dma.local [hbm:s3], $0xF7A  }
0x26: {  	[smem:$0x3F9B] =	sst s1;
	(tag) =	ssettag s2;
	_ =	strace s9  }
0x27: {  	s1 =	sld [smem:$0x3FAB]  }
0x28: {  	s2 =	sld [smem:$0x3FAC]  }
0x29: {  	s4 =	sld [smem:$0x3FAE]  }
0x2a: {  	p0 =	seq.s32 s5, $0x0;
	s5 =	sld [smem:$0x3FAF]  }
0x2b: {  	s6 =	sld [smem:$0x3FB0]  }
0x2c: {  	s7 =	sld [smem:$0x3FB1]  }
0x2d: {  	s3 =	simm.s32 $0x108;
	s8 =	sld [smem:$0x3FB2]  }
0x2e: {  	s3 =	simm.s32 @!p0 $0x1082;
	s9 =	sld [smem:$0x3FB3]  }
0x2f: {  	lr =	sadd.s32 s0, s3;
	s0 =	sld [smem:$0x3FAA]  }
0x30: {  	s3 =	sld [smem:$0x3FAD]  }
0x31: {  	[smem:$0x3FB6] =	sst s10  }
0x32: {  	s10 =	sld [smem:$0x3FB4];
	_ =	sdelay $0x3  }
0x33: {  	p0 =	seq.s32 s10, $0x1;
	s10 =	sld [smem:$0x3FB6];
	_ =	sdelay $0x3  }
0x34: {  	[smem:$0x3FB6] =	sst s10  }
0x35: {  	s10 =	sld [smem:$0x3FB5];
	_ =	sdelay $0x3  }
0x36: {  	p1 =	seq.s32 s10, $0x1;
	s10 =	sld [smem:$0x3FB6];
	_ =	sdelay $0x3  }
0x37: {  	[smem:$0x3FB6] =	sst s10  }
0x38: {  	s10 =	sld [smem:$0x3FB7]  }
0x39: {  	_ = 	snop;
	(pc) =	sbr.ind lr, $3  }
0x3a: {  	_ = 	snop  }
0x3b: {  	_ = 	snop  }
0x3c: {  	p2 =	seq.s32 s10, $0x1;
	s10 =	sld [smem:$0x3FB6]  }
0x3d: {  	_ =	shalt  }
0x3e: {  	_ =	shalt  }
0x3f: {  	_ =	shalt  }
0x40: {  	_ =	shalt  }
0x41: {  	_ =	shalt  }
0x42: {  	_ =	shalt  }
0x43: {  	_ =	shalt  }
0x44: {  	_ =	shalt  }
0x45: {  	_ =	shalt  }
0x46: {  	_ =	shalt  }
0x47: {  	_ =	shalt  }
0x48: {  	_ =	shalt  }
0x49: {  	_ =	shalt  }
0x4a: {  	_ =	shalt  }
0x4b: {  	_ =	shalt  }
0x4c: {  	_ =	shalt  }
0x4d: {  	_ =	shalt  }
0x4e: {  	_ =	shalt  }
0x4f: {  	_ =	shalt  }
0x50: {  	_ =	shalt  }
0x51: {  	_ =	shalt  }
0x52: {  	_ =	shalt  }
0x53: {  	_ =	shalt  }
0x54: {  	_ =	shalt  }
0x55: {  	_ =	shalt  }
0x56: {  	_ =	shalt  }
0x57: {  	_ =	shalt  }
0x58: {  	_ =	shalt  }
0x59: {  	_ =	shalt  }
0x5a: {  	_ =	shalt  }
0x5b: {  	_ =	shalt  }
0x5c: {  	_ =	shalt  }
0x5d: {  	_ =	shalt  }
0x5e: {  	_ =	shalt  }
0x5f: {  	_ =	shalt  }
0x60: {  	_ =	shalt  }
0x61: {  	_ =	shalt  }
0x62: {  	_ =	shalt  }
0x63: {  	_ =	shalt  }
0x64: {  	_ =	shalt  }
0x65: {  	_ =	shalt  }
0x66: {  	_ =	shalt  }
0x67: {  	_ =	shalt  }
0x68: {  	_ =	shalt  }
0x69: {  	_ =	shalt  }
0x6a: {  	_ =	shalt  }
0x6b: {  	_ =	shalt  }
0x6c: {  	_ =	shalt  }
0x6d: {  	_ =	shalt  }
0x6e: {  	_ =	shalt  }
0x6f: {  	_ =	shalt  }
0x70: {  	_ =	shalt  }
0x71: {  	_ =	shalt  }
0x72: {  	_ =	shalt  }
0x73: {  	_ =	shalt  }
0x74: {  	_ =	shalt  }
0x75: {  	_ =	shalt  }
0x76: {  	_ =	shalt  }
0x77: {  	_ =	shalt  }
0x78: {  	_ =	shalt  }
0x79: {  	_ =	shalt  }
0x7a: {  	_ =	shalt  }
0x7b: {  	_ =	shalt  }
0x7c: {  	_ =	shalt  }
0x7d: {  	_ =	shalt  }
0x7e: {  	_ =	shalt  }
0x7f: {  	_ =	shalt  }
0x80: {  	_ =	shalt  }
0x81: {  	_ =	shalt  }
0x82: {  	_ =	shalt  }
0x83: {  	_ =	shalt  }
0x84: {  	_ =	shalt  }
0x85: {  	_ =	shalt  }
0x86: {  	_ =	shalt  }
0x87: {  	_ =	shalt  }
.Lfunc_end0:
.L_simem_size_0:
called_computation_lowered:
.L_overlay_start_0:
0x88: {  	s2 =	sld [smem:$0x3FD9]  }
0x89: {  	s3 =	sld [smem:$0x3FFE];
	_ =	sdelay $0x1  }
0x8a: {  	s1 =	srdreg.scid  }
0x8b: {  	s0 =	sand.u32 $0x1, s1  }
0x8c: {  	s15 =	sshll.u32 s0, $0xA;
	s2 =	sadd.s32 s3, s2  }
0x8d: {  	s2 =	sadd.s32 s2, s15  }
0x8e: {  	[smem:$0x3FC2] =	sst s2  }
0x8f: {  	_ = 	snop  }
0x90: {  	s2 =	sld [smem:$0x3FC9]  }
0x91: {  	s16 =	sld [smem:$0x3FD0]  }
0x92: {  	s4 =	sld [smem:$0x3FC7]  }
0x93: {  	s5 =	sld [smem:$0x3FC6]  }
0x94: {  	s7 =	simm.s32 $0xA;
	s8 =	simm.s32 $0x10;
	s6 =	sld [smem:$0x3FC5]  }
0x95: {  	[smem:s8], [sflag:s7] =	dma.local [hbm:s16], $0x1  }
0x96: {  	_ =	swait.eq [sflag:s7], $0x1  }
0x97: {  	s17 =	sld [smem:$0x10]  }
0x98: {  	s18 =	sld [smem:$0x11]  }
0x99: {  	s9 =	sld [smem:$0x12];
	[sflag:s7] =	ssyncset.done $0x0  }
0x9a: {  	s10 =	sld [smem:$0x13];
	[sflag:s7] =	ssyncadd.s32 $0xFFFFFFFF  }
0x9b: {  	s19 =	sld [smem:$0x14];
	(tm) =	ssettm $0x1  }
0x9c: {  	s11 =	sld [smem:$0x3FFB];
	_ =	sdelay $0x3  }
0x9d: {  	_ =	strace s11  }
0x9e: {  	s11 =	sld [smem:$0x3FFC];
	_ =	sdelay $0x3  }
0x9f: {  	_ =	strace s11  }
0xa0: {  	s11 =	sld [smem:$0x3FFD];
	_ =	sdelay $0x3  }
0xa1: {  	_ =	strace s11  }
0xa2: {  	_ =	strace $0x8FFFFFFF  }
0xa3: {  	s20 =	sld [smem:$0x3FDB];
	_ =	sdelay $0x1  }
0xa4: {  	s12 =	simm.s32 $_scs_section_size  }
0xa5: {  	s13 =	simm.s32 $_size__tile_overlayer_lowered;
	s14 =	simm.s32 $_tile_overlayer_lowered  }
0xa6: {  	s23 =	simm.s32 $0x1BFF;
	s22 =	sshll.u32 s14, $0x1;
	s11 =	sadd.s32 s12, s20  }
0xa7: {  	s21 =	sshll.u32 s13, $0x1;
	s15 =	simm.s32 $0x0;
	s13 =	sadd.s32 s22, s11  }
0xa8: {  	[timem:s15], [sflag:s23] =	dma.local [hbm:s13], s21  }
0xa9: {  	_ =	swait.ge [sflag:s23], s21  }
0xaa: {  	s12 =	ssub.s32 $0x0, s21;
	[sflag:s23] =	ssyncset.done $0x0  }
0xab: {  	[sflag:s23] =	ssyncadd.s32 s12;
	_ =	sdelay $0x1  }
0xac: {  	s24 =	simm.s32 $0x1B8B  }
0xad: {  	_ =	swait.ge [sflag:s24], $0x1  }
0xae: {  	[sflag:s24] =	ssyncset.done $0x0  }
0xaf: {  	s25 =	simm.s32 $0x1B8E;
	[sflag:s24] =	ssyncadd.s32 $0xFFFFFFFF  }
0xb0: {  	s26 =	simm.s32 $execute0_lowered;
	[smem:$0x3FD2] =	sst s25  }
0xb1: {  	s12 =	sshll.u32 s26, $0x1;
	_ =	strace $0x80000046;
	[dreg:$0x1] =	wrdreg $0xFFFFFFFF  }
0xb2: {  	s28 =	simm.s32 $_size_execute0_lowered;
	s11 =	sadd.s32 s11, s12;
	[dreg:$0x0] =	wrdreg $0x0  }
0xb3: {  	s12 =	sshll.u32 s28, $0x1;
	[dreg:$0x2] =	wrdreg s11  }
0xb4: {  	[dreg:$0x3] =	wrdreg s12  }
0xb5: {  	[dreg:$0x4] =	wrdreg $0xC0  }
0xb6: {  	_ =	task [dreg:s15], $0x5FFFF  }
0xb7: {  	[dreg:$0x1] =	wrdreg $0xFFFFFFFF  }
0xb8: {  	[dreg:$0x0] =	wrdreg $0x60  }
0xb9: {  	[dreg:$0x2] =	wrdreg s2  }
0xba: {  	[dreg:$0x3] =	wrdreg s17  }
0xbb: {  	[dreg:$0x4] =	wrdreg s18  }
0xbc: {  	[dreg:$0x5] =	wrdreg s4  }
0xbd: {  	[dreg:$0x6] =	wrdreg s5  }
0xbe: {  	[dreg:$0x7] =	wrdreg s6  }
0xbf: {  	[dreg:$0x8] =	wrdreg s9  }
0xc0: {  	[dreg:$0x9] =	wrdreg s10  }
0xc1: {  	[dreg:$0xa] =	wrdreg s19  }
0xc2: {  	[dreg:$0xb] =	wrdreg $0x9  }
0xc3: {  	_ =	task.clear_ibuf [dreg:s15], $0xCFFFF;
	_ =	strace $0x90000046  }
0xc4: {  	s29 =	simm.s32 $0x9;
	_ =	strace $0x80000048  }
0xc5: {  	_ =	swait.ge [sflag:s29], $0x1  }
0xc6: {  	[sflag:s29] =	ssyncadd.s32 $0xFFFFFFFF  }
0xc7: {  	_ =	strace $0x90000048  }
0xc8: {  	_ =	sfence  }
0xc9: {  	s30 =	sld [smem:$0x0];
	_ =	sdelay $0x2  }
0xca: {  	s31 =	sshll.u32 s1, $0xD;
	s1 =	sshrl.u32 s1, $0x2  }
0xcb: {  	s3 =	sand.u32 $0x4000, s31;
	s1 =	sadd.s32 s1, s30  }
0xcc: {  	s0 =	sor.u32 s3, s0;
	s1 =	sshll.u32 s1, $0x11  }
0xcd: {  	s0 =	sor.u32 s1, s0  }
0xce: {  	s0 =	sadd.s32 $0x8F2B, s0  }
0xcf: {  	[sflag:s0] =	ssyncadd.remote.s32 $0x1  }
0xd0: {  	_ =	sfence.sel $0xFFFF  }
0xd1: {  	[dreg:$0x0] =	wrdreg $0xFFFFFFFF;
	(pc) =	sbr.abs _section_cstart, $3  }
0xd2: {  	[dreg:$0x1] =	wrdreg $0xFFFFFFFF  }
0xd3: {  	_ =	task.clear_ibuf [dreg:s15], $0x2FFFF;
	_ =	strace $0x9FFFFFFF  }
0xd4: {  	(tm) =	ssettm $0x7FFFFFFF  }
0xd5: {  	_ =	shalt  }
tec
execute0_lowered:
.L_overlay_start_1:
0x0: {  	(tag) =	ssettag $0x1  }
0x1: {  	s0 =	rddreg [dreg:$0x0]  }
0x2: {  	s1 =	rddreg [dreg:$0x1]  }
0x3: {  	s2 =	rddreg [dreg:$0x2]  }
0x4: {  	s3 =	rddreg [dreg:$0x3]  }
0x5: {  	s4 =	rddreg [dreg:$0x4]  }
0x6: {  	s8 =	rddreg [dreg:$0x5]  }
0x7: {  	s5 =	srdreg.scid;
	s12 =	rddreg [dreg:$0x6]  }
0x8: {  	s7 =	stileid.u32;
	s13 =	rddreg [dreg:$0x7]  }
0x9: {  	s14 =	rddreg [dreg:$0x8];
	s16 =	simm.s32 $0x4000;
	s17 =	simm.s32 $0x8000  }
0xa: {  	s18 =	simm.s32 $0x8080;
	s19 =	simm.s32 $0x8D00;
	s20 =	simm.s32 $0xB280  }
0xb: {  	s22 =	simm.s32 $0x9980;
	s6 =	sand.u32 $0x1, s5;
	s28 =	sshll.u32 s7, $0x1  }
0xc: {  	s23 =	simm.s32 $0xA600;
	s5 =	simm.s32 $0x0;
	s25 =	sor.u32 s6, s28  }
0xd: {  	[smem:$0x7FF] =	sst s5;
	s6 =	ssub.s32 $0x2, s6;
	s21 =	smul.u32 $0xC40, s25  }
0xe: {  	_ =	strace $0x80000047;
	s29 =	sshrl.u32 s6, $0x1;
	p0 =	seq.s32 s25, $0x1F  }
0xf: {  	s25 =	simm.s32 $0x0;
	s15 =	ssub.s32 s6, s29;
	s24 =	smin.u32 s21, $0x17A60  }
0x10: {  	s30 =	sadd.s32 $0xC40, s21;
	s31 =	sshrl.u32 s21, $0x3;
	s15 =	smax.u32 s15, $0x1  }
0x11: {  	v0 =	vmov s21;
	s21 =	simm.s32 $0x1;
	s9 =	sshrl.u32 s24, $0x3;
	s10 =	sadd.s32 s13, s31  }
0x12: {  	s11 =	sadd.s32 s14, s31;
	s13 =	sadd.s32 $0x2F78, s13;
	s14 =	sadd.s32 $0x2F78, s14  }
0x13: {  	v2 =	vmov s24;
	s24 =	simm.s32 $0x2;
	s6 =	sadd.s32 s3, s9;
	s7 =	sadd.s32 s4, s9  }
0x14: {  	v3 =	vimm.f32 $0.0e+00;
	v4 =	vimm.f32 $1.000000000e+00;
	v1 =	vmov s30;
	s8 =	sadd.s32 s8, s9;
	s9 =	sadd.s32 s12, s31;
	s12 =	sadd.s32 $0x2F78, s12  }
.LBB2_1:
0x15: {  	[tilespmem:s5], [sflag:$0x1] =	stream.linear.gather [hbm4b:s0+s5], $0x4000, $0x38;
	[tilespmem:$0xBF00] =	vst v63  }
0x16: {  	_ = 	snop  }
0x17: {  	[tilespmem:s16], [sflag:$0x1] =	stream.linear.gather [hbm4b:s1+s5], $0x4000, $0x38;
	[tilespmem:$0xBF00] =	vst v63  }
0x18: {  	_ = 	snop  }
0x19: {  	[tilespmem:s17], [sflag:$0x1] =	stream.linear.gather [hbm4b:s2+s5], $0x80, $0x38;
	[tilespmem:$0xBF00] =	vst v63  }
0x1a: {  	_ = 	snop  }
0x1b: {  	[tilespmem:s18], [sflag:$0x2] =	stream.linear.gather [hbm4b:s6+s5], $0xC40, $0x38;
	[tilespmem:$0xBF00] =	vst v63  }
0x1c: {  	_ = 	snop  }
0x1d: {  	[tilespmem:s19], [sflag:$0x2] =	stream.linear.gather [hbm4b:s7+s5], $0xC40, $0x38;
	[tilespmem:$0xBF00] =	vst v63  }
0x1e: {  	s3 =	simm.s32 $0x99C0  }
0x1f: {  	[tilespmem:s20], [sflag:$0x2] =	stream.linear.gather [hbm4b:s8+s5], $0xC40, $0x38;
	[tilespmem:$0xBF00] =	vst v63  }
0x20: {  	[tilespmem:s3+$0xFFFFFFC0] =	vst v3  }
0x21: {  	[tilespmem:s3+$0x30] =	vst v3  }
0x22: {  	[tilespmem:s3+$0x20] =	vst v3  }
0x23: {  	[tilespmem:s3+$0x10] =	vst v3  }
0x24: {  	[tilespmem:s3+$0x0] =	vst v3  }
0x25: {  	[tilespmem:s3+$0xFFFFFFF0] =	vst v3  }
0x26: {  	s4 =	simm.s32 $0x0;
	[tilespmem:s3+$0xFFFFFFE0] =	vst v3  }
.LBB2_2:
0x27: {  	s4 =	sadd.s32 $0x8, s4;
	[tilespmem:s3+$0xFFFFFFD0] =	vst v3;
	s3 =	sadd.s32 $0x80, s3  }
0x28: {  	[tilespmem:s3+$0xFFFFFFC0] =	vst v3;
	p1 =	slt.u32 s4, $0xB8  }
0x29: {  	[tilespmem:s3+$0x30] =	vst v3  }
.Ltmp0:
0x2a: {  	[tilespmem:s3+$0x20] =	vst v3;
	(pc) =	sbr.rel @p1 .LBB2_2-.Ltmp0, $4  }
0x2b: {  	[tilespmem:s3+$0x10] =	vst v3  }
0x2c: {  	[tilespmem:s3+$0x0] =	vst v3  }
0x2d: {  	[tilespmem:s3+$0xFFFFFFF0] =	vst v3  }
0x2e: {  	[tilespmem:s3+$0xFFFFFFE0] =	vst v3  }
0x2f: {  	[tilespmem:s3+$0xFFFFFFD0] =	vst v3  }
0x30: {  	[tilespmem:$0xA580] =	vst v3  }
0x31: {  	[tilespmem:$0xA590] =	vst v3  }
0x32: {  	[tilespmem:$0xA5A0] =	vst v3  }
0x33: {  	[tilespmem:$0xA5B0] =	vst v3  }
0x34: {  	_ =	swait.ge [sflag:s21], $0x4000  }
0x35: {  	[sflag:s21] =	ssyncset.done $0x0  }
0x36: {  	[sflag:s21] =	ssyncadd.s32 $0xFFFFC000  }
0x37: {  	_ =	swait.ge [sflag:s21], $0x4000  }
0x38: {  	[sflag:s21] =	ssyncset.done $0x0  }
0x39: {  	[sflag:s21] =	ssyncadd.s32 $0xFFFFC000  }
0x3a: {  	_ =	swait.ge [sflag:s21], $0x80  }
0x3b: {  	s3 =	simm.s32 $0xFFFFFFF8;
	[sflag:s21] =	ssyncset.done $0x0  }
0x3c: {  	s4 =	simm.s32 $0x40;
	s26 =	simm.s32 $0x4040;
	[sflag:s21] =	ssyncadd.s32 $0xFFFFFF80  }
.LBB2_4:
0x3d: {  	v5 =	vld [tilespmem:s4+$0xFFFFFFC0];
	_ =	sdelay $0x4  }
0x3e: {  	vm0 =	vge.s32 v5, v0;
	vm1 =	vlt.s32 v5, v1  }
0x3f: {  	v5 =	vsub.s32 v5, v2;
	vm0 =	vmand vm0, vm1  }
0x40: {  	v5 =	vnsel vm0, $0x0, v5;
	_ =	sdelay $0x4  }
0x41: {  	[tilespmem:v5+s22+$0x0] =	vst.idx.msk vm0, v4  }
0x42: {  	v6 =	vld [tilespmem:s26+$0xFFFFFFC0];
	_ =	sdelay $0x4  }
0x43: {  	[tilespmem:v5+s23+$0x0] =	vst.idx.msk vm0, v6  }
0x44: {  	v5 =	vld [tilespmem:s4+$0xFFFFFFD0];
	_ =	sdelay $0x4  }
0x45: {  	vm14 =	vge.s32 v5, v0;
	vm15 =	vlt.s32 v5, v1  }
0x46: {  	v5 =	vsub.s32 v5, v2;
	vm0 =	vmand vm14, vm15  }
0x47: {  	v5 =	vnsel vm0, $0x0, v5;
	_ =	sdelay $0x4  }
0x48: {  	[tilespmem:v5+s22+$0x0] =	vst.idx.msk vm0, v4  }
0x49: {  	v6 =	vld [tilespmem:s26+$0xFFFFFFD0];
	_ =	sdelay $0x4  }
0x4a: {  	[tilespmem:v5+s23+$0x0] =	vst.idx.msk vm0, v6  }
0x4b: {  	v5 =	vld [tilespmem:s4+$0xFFFFFFE0];
	_ =	sdelay $0x4  }
0x4c: {  	vm4 =	vge.s32 v5, v0;
	vm5 =	vlt.s32 v5, v1  }
0x4d: {  	v5 =	vsub.s32 v5, v2;
	vm0 =	vmand vm4, vm5  }
0x4e: {  	v5 =	vnsel vm0, $0x0, v5;
	_ =	sdelay $0x4  }
0x4f: {  	[tilespmem:v5+s22+$0x0] =	vst.idx.msk vm0, v4  }
0x50: {  	v6 =	vld [tilespmem:s26+$0xFFFFFFE0];
	_ =	sdelay $0x4  }
0x51: {  	[tilespmem:v5+s23+$0x0] =	vst.idx.msk vm0, v6  }
0x52: {  	v5 =	vld [tilespmem:s4+$0xFFFFFFF0];
	_ =	sdelay $0x4  }
0x53: {  	vm6 =	vge.s32 v5, v0;
	vm7 =	vlt.s32 v5, v1  }
0x54: {  	v5 =	vsub.s32 v5, v2;
	vm0 =	vmand vm6, vm7  }
0x55: {  	v5 =	vnsel vm0, $0x0, v5;
	_ =	sdelay $0x4  }
0x56: {  	[tilespmem:v5+s22+$0x0] =	vst.idx.msk vm0, v4  }
0x57: {  	v6 =	vld [tilespmem:s26+$0xFFFFFFF0];
	_ =	sdelay $0x4  }
0x58: {  	[tilespmem:v5+s23+$0x0] =	vst.idx.msk vm0, v6  }
0x59: {  	v5 =	vld [tilespmem:s4+$0x0];
	_ =	sdelay $0x4  }
0x5a: {  	vm8 =	vge.s32 v5, v0;
	vm9 =	vlt.s32 v5, v1  }
0x5b: {  	v5 =	vsub.s32 v5, v2;
	vm0 =	vmand vm8, vm9  }
0x5c: {  	v5 =	vnsel vm0, $0x0, v5;
	_ =	sdelay $0x4  }
0x5d: {  	[tilespmem:v5+s22+$0x0] =	vst.idx.msk vm0, v4  }
0x5e: {  	v6 =	vld [tilespmem:s26+$0x0];
	_ =	sdelay $0x4  }
0x5f: {  	[tilespmem:v5+s23+$0x0] =	vst.idx.msk vm0, v6  }
0x60: {  	v5 =	vld [tilespmem:s4+$0x10];
	_ =	sdelay $0x4  }
0x61: {  	vm10 =	vge.s32 v5, v0;
	vm11 =	vlt.s32 v5, v1  }
0x62: {  	v5 =	vsub.s32 v5, v2;
	vm0 =	vmand vm10, vm11  }
0x63: {  	v5 =	vnsel vm0, $0x0, v5;
	_ =	sdelay $0x4  }
0x64: {  	[tilespmem:v5+s22+$0x0] =	vst.idx.msk vm0, v4  }
0x65: {  	v6 =	vld [tilespmem:s26+$0x10];
	_ =	sdelay $0x4  }
0x66: {  	[tilespmem:v5+s23+$0x0] =	vst.idx.msk vm0, v6  }
0x67: {  	v5 =	vld [tilespmem:s4+$0x20];
	_ =	sdelay $0x4  }
0x68: {  	vm12 =	vge.s32 v5, v0;
	vm13 =	vlt.s32 v5, v1  }
0x69: {  	v5 =	vsub.s32 v5, v2;
	vm0 =	vmand vm12, vm13  }
0x6a: {  	v5 =	vnsel vm0, $0x0, v5;
	_ =	sdelay $0x4  }
0x6b: {  	[tilespmem:v5+s22+$0x0] =	vst.idx.msk vm0, v4  }
0x6c: {  	v6 =	vld [tilespmem:s26+$0x20];
	_ =	sdelay $0x4  }
0x6d: {  	[tilespmem:v5+s23+$0x0] =	vst.idx.msk vm0, v6  }
0x6e: {  	v5 =	vld [tilespmem:s4+$0x30];
	_ =	sdelay $0x4  }
0x6f: {  	vm14 =	vge.s32 v5, v0;
	vm15 =	vlt.s32 v5, v1  }
0x70: {  	v5 =	vsub.s32 v5, v2;
	vm0 =	vmand vm14, vm15  }
0x71: {  	v5 =	vnsel vm0, $0x0, v5;
	_ =	sdelay $0x4  }
0x72: {  	s3 =	sadd.s32 $0x8, s3;
	[tilespmem:v5+s22+$0x0] =	vst.idx.msk vm0, v4  }
0x73: {  	p1 =	slt.u32 s3, $0x3F8;
	v6 =	vld [tilespmem:s26+$0x30]  }
.Ltmp1:
0x74: {  	_ = 	snop;
	(pc) =	sbr.rel @p1 .LBB2_4-.Ltmp1, $2  }
0x75: {  	_ =	sdelay $0x2  }
0x76: {  	s4 =	sadd.s32 $0x80, s4;
	s26 =	sadd.s32 $0x80, s26;
	[tilespmem:v5+s23+$0x0] =	vst.idx.msk vm0, v6  }
0x77: {  	_ =	swait.ge [sflag:s24], $0xC40  }
0x78: {  	[sflag:s24] =	ssyncset.done $0x0  }
0x79: {  	[sflag:s24] =	ssyncadd.s32 $0xFFFFF3C0  }
0x7a: {  	_ =	swait.ge [sflag:s24], $0xC40  }
0x7b: {  	[sflag:s24] =	ssyncset.done $0x0  }
0x7c: {  	[sflag:s24] =	ssyncadd.s32 $0xFFFFF3C0  }
0x7d: {  	_ =	swait.ge [sflag:s24], $0xC40  }
0x7e: {  	[sflag:s24] =	ssyncset.done $0x0  }
0x7f: {  	[sflag:s24] =	ssyncadd.s32 $0xFFFFF3C0  }
0x80: {  	s3 =	simm.s32 $0x99A0;
	v5 =	vld [tilespmem:$0x8000]  }
0x81: {  	s4 =	simm.s32 $0x80A0;
	v6 =	vld [tilespmem:s3+$0xFFFFFFE0]  }
0x82: {  	v7 =	vld [tilespmem:s4+$0xFFFFFFE0];
	_ =	sdelay $0x3  }
0x83: {  	vm0 =	vgt.f32 v6, $0.0e+00  }
0x84: {  	v7 =	vsel vm0, v5, v7  }
0x85: {  	s29 =	simm.s32 $0x8D20;
	[tilespmem:s4+$0xFFFFFFE0] =	vst v7  }
0x86: {  	v7 =	vld [tilespmem:s29+$0xFFFFFFE0];
	_ =	sdelay $0x4  }
0x87: {  	v6 =	vadd.f32 v7, v6;
	_ =	sdelay $0x1  }
0x88: {  	s26 =	simm.s32 $0xA620;
	[tilespmem:s29+$0xFFFFFFE0] =	vst v6  }
0x89: {  	s28 =	simm.s32 $0xB2A0;
	v6 =	vld [tilespmem:s26+$0xFFFFFFE0]  }
0x8a: {  	v7 =	vld [tilespmem:s28+$0xFFFFFFE0];
	_ =	sdelay $0x4  }
0x8b: {  	v6 =	vsel vm0, v6, v7  }
0x8c: {  	[tilespmem:s28+$0xFFFFFFE0] =	vst v6  }
0x8d: {  	v6 =	vld [tilespmem:s3+$0xFFFFFFF0]  }
0x8e: {  	v7 =	vld [tilespmem:s4+$0xFFFFFFF0];
	_ =	sdelay $0x3  }
0x8f: {  	vm0 =	vgt.f32 v6, $0.0e+00  }
0x90: {  	v7 =	vsel vm0, v5, v7  }
0x91: {  	[tilespmem:s4+$0xFFFFFFF0] =	vst v7  }
0x92: {  	v7 =	vld [tilespmem:s29+$0xFFFFFFF0];
	_ =	sdelay $0x4  }
0x93: {  	v6 =	vadd.f32 v7, v6;
	_ =	sdelay $0x1  }
0x94: {  	[tilespmem:s29+$0xFFFFFFF0] =	vst v6  }
0x95: {  	v6 =	vld [tilespmem:s26+$0xFFFFFFF0]  }
0x96: {  	v7 =	vld [tilespmem:s28+$0xFFFFFFF0];
	_ =	sdelay $0x4  }
0x97: {  	v6 =	vsel vm0, v6, v7  }
0x98: {  	[tilespmem:s28+$0xFFFFFFF0] =	vst v6  }
0x99: {  	v6 =	vld [tilespmem:s3+$0x0]  }
0x9a: {  	v7 =	vld [tilespmem:s4+$0x0];
	_ =	sdelay $0x3  }
0x9b: {  	vm0 =	vgt.f32 v6, $0.0e+00  }
0x9c: {  	v7 =	vsel vm0, v5, v7  }
0x9d: {  	[tilespmem:s4+$0x0] =	vst v7  }
0x9e: {  	v7 =	vld [tilespmem:s29+$0x0];
	_ =	sdelay $0x4  }
0x9f: {  	v6 =	vadd.f32 v7, v6;
	_ =	sdelay $0x1  }
0xa0: {  	[tilespmem:s29+$0x0] =	vst v6  }
0xa1: {  	v6 =	vld [tilespmem:s26+$0x0]  }
0xa2: {  	v7 =	vld [tilespmem:s28+$0x0];
	_ =	sdelay $0x4  }
0xa3: {  	v6 =	vsel vm0, v6, v7  }
0xa4: {  	[tilespmem:s28+$0x0] =	vst v6  }
0xa5: {  	v6 =	vld [tilespmem:s3+$0x10]  }
0xa6: {  	v7 =	vld [tilespmem:s4+$0x10];
	_ =	sdelay $0x3  }
0xa7: {  	vm0 =	vgt.f32 v6, $0.0e+00  }
0xa8: {  	v7 =	vsel vm0, v5, v7  }
0xa9: {  	[tilespmem:s4+$0x10] =	vst v7  }
0xaa: {  	v7 =	vld [tilespmem:s29+$0x10];
	_ =	sdelay $0x4  }
0xab: {  	v6 =	vadd.f32 v7, v6;
	_ =	sdelay $0x1  }
0xac: {  	[tilespmem:s29+$0x10] =	vst v6  }
0xad: {  	v6 =	vld [tilespmem:s26+$0x10]  }
0xae: {  	s30 =	simm.s32 $0x8D60;
	s31 =	simm.s32 $0x80E0;
	v7 =	vld [tilespmem:s28+$0x10]  }
0xaf: {  	s3 =	simm.s32 $0x99E0;
	s4 =	simm.s32 $0xB2A0;
	s29 =	simm.s32 $0x0  }
.LBB2_6:
0xb0: {  	s29 =	sadd.s32 $0x4, s29;
	s28 =	sadd.s32 $0x40, s28;
	s26 =	sadd.s32 $0x40, s26  }
0xb1: {  	p1 =	slt.u32 s29, $0xC0;
	_ =	sdelay $0x1  }
0xb2: {  	v6 =	vsel vm0, v6, v7  }
0xb3: {  	[tilespmem:s4+$0x10] =	vst v6;
	s4 =	smov.u32 s28  }
0xb4: {  	v6 =	vld [tilespmem:s3+$0xFFFFFFE0]  }
0xb5: {  	v7 =	vld [tilespmem:s31+$0xFFFFFFE0];
	_ =	sdelay $0x3  }
0xb6: {  	vm0 =	vgt.f32 v6, $0.0e+00  }
0xb7: {  	v7 =	vsel vm0, v5, v7  }
0xb8: {  	[tilespmem:s31+$0xFFFFFFE0] =	vst v7  }
0xb9: {  	v7 =	vld [tilespmem:s30+$0xFFFFFFE0];
	_ =	sdelay $0x4  }
0xba: {  	v6 =	vadd.f32 v7, v6;
	_ =	sdelay $0x1  }
0xbb: {  	[tilespmem:s30+$0xFFFFFFE0] =	vst v6  }
0xbc: {  	v6 =	vld [tilespmem:s26+$0xFFFFFFE0]  }
0xbd: {  	v7 =	vld [tilespmem:s28+$0xFFFFFFE0];
	_ =	sdelay $0x4  }
0xbe: {  	v6 =	vsel vm0, v6, v7  }
0xbf: {  	[tilespmem:s28+$0xFFFFFFE0] =	vst v6  }
0xc0: {  	v6 =	vld [tilespmem:s3+$0xFFFFFFF0]  }
0xc1: {  	v7 =	vld [tilespmem:s31+$0xFFFFFFF0];
	_ =	sdelay $0x3  }
0xc2: {  	vm0 =	vgt.f32 v6, $0.0e+00  }
0xc3: {  	v7 =	vsel vm0, v5, v7  }
0xc4: {  	[tilespmem:s31+$0xFFFFFFF0] =	vst v7  }
0xc5: {  	v7 =	vld [tilespmem:s30+$0xFFFFFFF0];
	_ =	sdelay $0x4  }
0xc6: {  	v6 =	vadd.f32 v7, v6;
	_ =	sdelay $0x1  }
0xc7: {  	[tilespmem:s30+$0xFFFFFFF0] =	vst v6  }
0xc8: {  	v6 =	vld [tilespmem:s26+$0xFFFFFFF0]  }
0xc9: {  	v7 =	vld [tilespmem:s28+$0xFFFFFFF0];
	_ =	sdelay $0x4  }
0xca: {  	v6 =	vsel vm0, v6, v7  }
0xcb: {  	[tilespmem:s28+$0xFFFFFFF0] =	vst v6  }
0xcc: {  	v6 =	vld [tilespmem:s3+$0x0]  }
0xcd: {  	v7 =	vld [tilespmem:s31+$0x0];
	_ =	sdelay $0x3  }
0xce: {  	vm0 =	vgt.f32 v6, $0.0e+00  }
0xcf: {  	v7 =	vsel vm0, v5, v7  }
0xd0: {  	[tilespmem:s31+$0x0] =	vst v7  }
0xd1: {  	v7 =	vld [tilespmem:s30+$0x0];
	_ =	sdelay $0x4  }
0xd2: {  	v6 =	vadd.f32 v7, v6;
	_ =	sdelay $0x1  }
0xd3: {  	[tilespmem:s30+$0x0] =	vst v6  }
0xd4: {  	v6 =	vld [tilespmem:s26+$0x0]  }
0xd5: {  	v7 =	vld [tilespmem:s28+$0x0];
	_ =	sdelay $0x4  }
0xd6: {  	v6 =	vsel vm0, v6, v7  }
0xd7: {  	[tilespmem:s28+$0x0] =	vst v6  }
0xd8: {  	v6 =	vld [tilespmem:s3+$0x10]  }
0xd9: {  	v7 =	vld [tilespmem:s31+$0x10];
	_ =	sdelay $0x3  }
0xda: {  	vm0 =	vgt.f32 v6, $0.0e+00  }
0xdb: {  	v7 =	vsel vm0, v5, v7  }
0xdc: {  	[tilespmem:s31+$0x10] =	vst v7  }
0xdd: {  	v7 =	vld [tilespmem:s30+$0x10];
	_ =	sdelay $0x4  }
0xde: {  	v6 =	vadd.f32 v7, v6  }
.Ltmp2:
0xdf: {  	(pc) =	sbr.rel @p1 .LBB2_6-.Ltmp2, $4  }
0xe0: {  	[tilespmem:s30+$0x10] =	vst v6  }
0xe1: {  	v6 =	vld [tilespmem:s26+$0x10]  }
0xe2: {  	v7 =	vld [tilespmem:s28+$0x10]  }
0xe3: {  	s3 =	sadd.s32 $0x40, s3;
	s31 =	sadd.s32 $0x40, s31;
	s30 =	sadd.s32 $0x40, s30  }
0xe4: {  	_ =	sdelay $0x2  }
0xe5: {  	v5 =	vsel vm0, v6, v7  }
0xe6: {  	s3 =	simm.s32 @p0 $0x0;
	[tilespmem:s4+$0x10] =	vst v5;
	s4 =	simm.s32 @p0 $0x81E0  }
0xe7: {  	[hbm4b:s12+s3] =	stream.linear.scatter @p0 [tilespmem:s4], [sflag:$0x3], $0xAE0, $0x38;
	[tilespmem:$0xBF00] =	vst v63  }
0xe8: {  	s4 =	simm.s32 @p0 $0x8E60  }
0xe9: {  	[hbm4b:s13+s3] =	stream.linear.scatter @p0 [tilespmem:s4], [sflag:$0x3], $0xAE0, $0x38;
	[tilespmem:$0xBF00] =	vst v63  }
0xea: {  	s4 =	simm.s32 @p0 $0xB3E0  }
0xeb: {  	[hbm4b:s14+s3] =	stream.linear.scatter @p0 [tilespmem:s4], [sflag:$0x3], $0xAE0, $0x38;
	[tilespmem:$0xBF00] =	vst v63  }
0xec: {  	s3 =	simm.s32 @p0 $0x3  }
0xed: {  	_ =	swait.ge @p0 [sflag:s3], $0xAE0  }
0xee: {  	[sflag:s3] =	ssyncset.done @p0 $0x0  }
0xef: {  	[sflag:s3] =	ssyncadd.s32 @p0 $0xFFFFF520  }
0xf0: {  	_ =	swait.ge @p0 [sflag:s3], $0xAE0  }
0xf1: {  	[sflag:s3] =	ssyncset.done @p0 $0x0  }
0xf2: {  	[sflag:s3] =	ssyncadd.s32 @p0 $0xFFFFF520  }
0xf3: {  	_ =	swait.ge @p0 [sflag:s3], $0xAE0  }
0xf4: {  	[sflag:s3] =	ssyncset.done @p0 $0x0  }
0xf5: {  	s4 =	simm.s32 @!p0 $0x8080;
	[sflag:s3] =	ssyncadd.s32 @p0 $0xFFFFF520;
	s3 =	simm.s32 @!p0 $0x0  }
0xf6: {  	[hbm4b:s9+s3] =	stream.linear.scatter @!p0 [tilespmem:s4], [sflag:$0x3], $0xC40, $0x38;
	[tilespmem:$0xBF00] =	vst v63  }
0xf7: {  	s4 =	simm.s32 @!p0 $0x8D00  }
0xf8: {  	[hbm4b:s10+s3] =	stream.linear.scatter @!p0 [tilespmem:s4], [sflag:$0x3], $0xC40, $0x38;
	[tilespmem:$0xBF00] =	vst v63  }
0xf9: {  	s4 =	simm.s32 @!p0 $0xB280  }
0xfa: {  	[hbm4b:s11+s3] =	stream.linear.scatter @!p0 [tilespmem:s4], [sflag:$0x3], $0xC40, $0x38;
	[tilespmem:$0xBF00] =	vst v63  }
0xfb: {  	s3 =	simm.s32 @!p0 $0x3  }
0xfc: {  	_ =	swait.ge @!p0 [sflag:s3], $0xC40  }
0xfd: {  	[sflag:s3] =	ssyncset.done @!p0 $0x0  }
0xfe: {  	s25 =	sadd.s32 $0x1, s25;
	[sflag:s3] =	ssyncadd.s32 @!p0 $0xFFFFF3C0  }
0xff: {  	p1 =	sne.s32 s25, s15;
	_ =	swait.ge @!p0 [sflag:s3], $0xC40  }
.Ltmp3:
0x100: {  	[sflag:s3] =	ssyncset.done @!p0 $0x0;
	(pc) =	sbr.rel @p1 .LBB2_1-.Ltmp3, $4  }
0x101: {  	[sflag:s3] =	ssyncadd.s32 @!p0 $0xFFFFF3C0  }
0x102: {  	_ =	swait.ge @!p0 [sflag:s3], $0xC40  }
0x103: {  	[sflag:s3] =	ssyncset.done @!p0 $0x0  }
0x104: {  	[sflag:s3] =	ssyncadd.s32 @!p0 $0xFFFFF3C0  }
0x105: {  	_ =	sfence.sel $0x180000  }
0x106: {  	[bflag:$0x0] =	sbarrier.arrive $0xFFFF  }
0x107: {  	_ =	strace $0x90000047  }
0x108: {  	s0 =	stileid.u32;
	[bflag:$0x2] =	sbarrier.arrive $0xFFFF  }
0x109: {  	p0 =	sne.s32 s0, $0x0;
	s0 =	rddreg [dreg:$0x9]  }
0x10a: {  	s0 =	sadd.s32 @!p0 $0x100000, s0  }
0x10b: {  	[sflag:s0] =	ssyncadd.tile.s32 @!p0 $0x1;
	_ =	shalt  }
.Lfunc_end2:
_tile_overlayer_lowered:
.L_overlay_start_2:
0x10c: {  	(tag) =	ssettag $0x2  }
0x10d: {  	s0 =	rddreg [dreg:$0x0];
	s2 =	stileid.u32  }
0x10e: {  	s1 =	rddreg [dreg:$0x1];
	p0 =	sne.s32 s2, $0x0  }
0x10f: {  	s3 =	rddreg [dreg:$0x2];
	[bflag:$0x3] =	sbarrier.arrive $0xFFFF;
	s2 =	simm.s32 @!p0 $0x1C04  }
0x110: {  	[timem:s3], [sflag:s2] =	dma.local @!p0 [hbm:s0], s1  }
0x111: {  	s0 =	simm.s32 @!p0 $0x4  }
0x112: {  	_ =	swait.ge @!p0 [sflag:s0], s1  }
0x113: {  	s1 =	ssub.s32 @!p0 $0x0, s1;
	[sflag:s0] =	ssyncset.done @!p0 $0x0  }
0x114: {  	[sflag:s0] =	ssyncadd.s32 @!p0 s1  }
0x115: {  	[bflag:$0x3] =	sbarrier.arrive $0xFFFF  }
0x116: {  	_ =	shalt  }

</sc_bundles>
